<compile_context>
chip_gen: v7x
topology: tpu7x:2x2x1
jax: 0.10.2.dev20260603
libtpu: 0.0.44.dev20260713+nightly
codegen_flags: <defaults>
</compile_context>

<pallas_src>
import functools

import jax
import jax.numpy as jnp
from jax import lax
from jax.experimental import pallas as pl
from jax.experimental.pallas import tpu as pltpu
from jax.experimental.pallas import tpu_sc as plsc

N_NODES = 10000
E = 320000
D = 128

CPT = 16
NGROUPS = D // CPT
NODE_H = N_NODES // 2
ACC = NODE_H * CPT
ROWS_PER_TILE = E // 2
R = 500
NCHUNK = ROWS_PER_TILE // R
UNROLL = 8

_mesh = plsc.VectorSubcoreMesh(core_axis_name="c", subcore_axis_name="s")
_sc_params = pltpu.CompilerParams(
    use_tc_tiling_on_sc=False, needs_layout_passes=False)


@functools.partial(
    pl.kernel,
    mesh=_mesh,
    out_type=jax.ShapeDtypeStruct((2, 2, NGROUPS, ACC), jnp.float32),
    scratch_types=[
        pltpu.VMEM((R, CPT), jnp.int32),
        pltpu.VMEM((R, CPT), jnp.int32),
        pltpu.VMEM((R, CPT), jnp.float32),
        pltpu.VMEM((R, CPT), jnp.float32),
        pltpu.VMEM((ACC,), jnp.float32),
        pltpu.VMEM_SHARED((R, D), jnp.int32),
        pltpu.VMEM_SHARED((R, D), jnp.int32),
        pltpu.VMEM_SHARED((R, D), jnp.float32),
        pltpu.VMEM_SHARED((R, D), jnp.float32),
        pltpu.SemaphoreType.DMA,
        pltpu.SemaphoreType.DMA,
        pltpu.SemaphoreType.DMA,
        pltpu.SemaphoreType.DMA,
    ],
    compiler_params=_sc_params,
)
def _scatter(idx_hbm, src_hbm, p_hbm,
             idx_v0, idx_v1, src_v0, src_v1, acc_v,
             st_i0, st_i1, st_s0, st_s1,
             sem_st0, sem_st1, sem_p0, sem_p1):
    c = lax.axis_index("c")
    s = lax.axis_index("s")
    g = s % NGROUPS
    nh = s // NGROUPS
    rh = c
    col0 = g * CPT
    row0 = rh * ROWS_PER_TILE
    node_lo = nh * NODE_H

    lane = lax.iota(jnp.int32, 16)
    lane_off = lane - node_lo * CPT
    zeros = jnp.zeros((16,), jnp.float32)

    def zbody(i, carry):
        acc_v[pl.ds(i * 16, 16)] = zeros
        return carry

    lax.fori_loop(0, ACC // 16, zbody, 0)

    stages = ((st_i0, st_s0, sem_st0), (st_i1, st_s1, sem_st1))
    tbufs = ((idx_v0, src_v0, sem_p0), (idx_v1, src_v1, sem_p1))

    def stage_start(k, b):
        r0 = row0 + k * R
        pltpu.async_copy(idx_hbm.at[pl.ds(r0, R), :], stages[b][0],
                         stages[b][2])
        pltpu.async_copy(src_hbm.at[pl.ds(r0, R), :], stages[b][1],
                         stages[b][2])

    def stage_wait(b):
        pltpu.make_async_copy(idx_hbm.at[pl.ds(0, R), :], stages[b][0],
                              stages[b][2]).wait()
        pltpu.make_async_copy(src_hbm.at[pl.ds(0, R), :], stages[b][1],
                              stages[b][2]).wait()

    def pull_start(b):
        pltpu.async_copy(stages[b][0].at[:, pl.ds(col0, CPT)], tbufs[b][0],
                         tbufs[b][2])
        pltpu.async_copy(stages[b][1].at[:, pl.ds(col0, CPT)], tbufs[b][1],
                         tbufs[b][2])

    def pull_wait(b):
        pltpu.make_async_copy(stages[b][0].at[:, pl.ds(col0, CPT)],
                              tbufs[b][0], tbufs[b][2]).wait()
        pltpu.make_async_copy(stages[b][1].at[:, pl.ds(col0, CPT)],
                              tbufs[b][1], tbufs[b][2]).wait()

    @pl.when(s == 0)
    def _():
        stage_start(0, 0)
        stage_start(1, 1)
        stage_wait(0)

    plsc.subcore_barrier()
    pull_start(0)

    def chunk_pair(k2, carry):
        for b in range(2):
            k = 2 * k2 + b
            idx_b, src_b, _ = tbufs[b]
            pull_wait(b)
            plsc.subcore_barrier()

            @pl.when(jnp.logical_and(s == 0, k + 2 < NCHUNK))
            def _():
                stage_start(k + 2, b)

            @pl.when(jnp.logical_and(s == 0, k + 1 < NCHUNK))
            def _():
                stage_wait(1 - b)

            plsc.subcore_barrier()

            @pl.when(k + 1 < NCHUNK)
            def _():
                pull_start(1 - b)

            @plsc.parallel_loop(0, R, step=1, unroll=UNROLL)
            def _body(i):
                iv = idx_b[i, :]
                sv = src_b[i, :]
                a = iv * CPT + lane_off
                m = a.astype(jnp.uint32) < jnp.uint32(ACC)
                a = jnp.where(m, a, 0)
                plsc.addupdate_scatter(acc_v, [a], sv, mask=m)

        return carry

    lax.fori_loop(0, NCHUNK // 2, chunk_pair, 0)

    pltpu.sync_copy(acc_v, p_hbm.at[rh, nh, g])


@functools.partial(
    pl.kernel,
    mesh=_mesh,
    out_type=jax.ShapeDtypeStruct((N_NODES, D), jnp.float32),
    scratch_types=[
        pltpu.VMEM((625, CPT), jnp.float32),
        pltpu.VMEM((625, CPT), jnp.float32),
        pltpu.VMEM((625 * CPT,), jnp.float32),
        pltpu.VMEM((625 * CPT,), jnp.float32),
        pltpu.VMEM((625, CPT), jnp.float32),
        pltpu.SemaphoreType.DMA,
    ],
    compiler_params=_sc_params,
)
def _combine(a3_hbm, base_hbm, p_hbm, out_hbm,
             a3_v, base_v, p0_v, p1_v, out_v, sem):
    c = lax.axis_index("c")
    s = lax.axis_index("s")
    g = s % NGROUPS
    q = (s // NGROUPS) * 2 + c
    col0 = g * CPT
    nq = N_NODES // 4
    node0 = q * nq
    nh = q // 2
    half_off = (q % 2) * (ACC // 2)
    CN = 625
    CW = CN * CPT

    def sub(t, carry):
        n0 = node0 + t * CN
        off = half_off + t * CW
        cps = [
            pltpu.async_copy(a3_hbm.at[pl.ds(n0, CN), pl.ds(col0, CPT)],
                             a3_v, sem),
            pltpu.async_copy(base_hbm.at[pl.ds(n0, CN), pl.ds(col0, CPT)],
                             base_v, sem),
            pltpu.async_copy(p_hbm.at[0, nh, g, pl.ds(off, CW)], p0_v, sem),
            pltpu.async_copy(p_hbm.at[1, nh, g, pl.ds(off, CW)], p1_v, sem),
        ]
        for cp in cps:
            cp.wait()

        def body(i, c2):
            tot = (base_v[i, :] + p0_v[pl.ds(i * 16, 16)]
                   + p1_v[pl.ds(i * 16, 16)])
            out_v[i, :] = a3_v[i, :] / tot
            return c2

        lax.fori_loop(0, CN, body, 0)

        pltpu.sync_copy(out_v, out_hbm.at[pl.ds(n0, CN), pl.ds(col0, CPT)])
        return carry

    lax.fori_loop(0, nq // CN, sub, 0)


@jax.jit
def _run(idx, a3, base, src):
    p = _scatter(idx, src)
    return _combine(a3, base, p)


def kernel(arg0_1, arg3_1, convert_element_type, convert_element_type_1):
    return (_run(arg0_1, arg3_1, convert_element_type, convert_element_type_1),)

# --- scband reference (transcript-rebuilt; emitter-appended) ---
"""Pipeline reference for scband-repro-11879879543018 (READ-ONLY COPY).

The authoritative reference and input builder live on the scoring server;
editing this copy changes nothing except your own understanding.
"""

import jax, jax.numpy as jnp
import numpy as np

N_NODES = 10000
E = 320000
D = 128

def setup_inputs(seed: int = 0) -> dict:
    key = jax.random.key(seed)
    k1, k2, k3 = jax.random.split(key, 3)
    arg0_1 = jax.random.randint(k1, (E, D), 0, N_NODES, dtype=jnp.int32)
    arg3_1 = jax.random.normal(k2, (N_NODES, D), dtype=jnp.float32)
    convert_element_type = jnp.ones((N_NODES, D), dtype=jnp.float32)
    convert_element_type_1 = jax.random.uniform(k3, (E, D), dtype=jnp.float32)
    return {
        "arg0_1": arg0_1,
        "arg3_1": arg3_1,
        "convert_element_type": convert_element_type,
        "convert_element_type_1": convert_element_type_1,
    }

def reference(arg0_1, arg3_1, convert_element_type, convert_element_type_1):
    # torch.ops.aten.scatter_add.default(base, 0, index, src):
    #   out[index[i, j], j] += src[i, j], out initialized to base.
    col = jnp.broadcast_to(jnp.arange(convert_element_type.shape[1])[None, :], arg0_1.shape)
    scatter_add = convert_element_type.at[arg0_1, col].add(convert_element_type_1)
    # torch.ops.aten.div.Tensor(arg3_1, scatter_add)
    div = arg3_1 / scatter_add
    return (div,)

if __name__ == "__main__":
    import jax
    _d = setup_inputs()
    print(jax.jit(kernel)(*tuple(_d.values())))

</pallas_src>

<mosaic_0001>
#map = affine_map<(d0, d1) -> (0, 0)>
#map1 = affine_map<(d0, d1) -> (0, 0, 0, 0)>
module attributes {stable_mosaic.version = 14 : i64} {
  func.func @_scatter(%arg0: i32, %arg1: i32, %arg2: memref<320000x128xi32, #tpu.memory_space<hbm>>, %arg3: memref<320000x128xf32, #tpu.memory_space<hbm>>, %arg4: memref<2x2x8x80000xf32, #tpu.memory_space<hbm>>, %arg5: memref<500x16xi32, #tpu.memory_space<vmem>>, %arg6: memref<500x16xi32, #tpu.memory_space<vmem>>, %arg7: memref<500x16xf32, #tpu.memory_space<vmem>>, %arg8: memref<500x16xf32, #tpu.memory_space<vmem>>, %arg9: memref<80000xf32, #tpu.memory_space<vmem>>, %arg10: memref<500x128xi32, #tpu.memory_space<vmem_shared>>, %arg11: memref<500x128xi32, #tpu.memory_space<vmem_shared>>, %arg12: memref<500x128xf32, #tpu.memory_space<vmem_shared>>, %arg13: memref<500x128xf32, #tpu.memory_space<vmem_shared>>, %arg14: memref<!tpu.dma_semaphore, #tpu.memory_space<semaphore_mem>>, %arg15: memref<!tpu.dma_semaphore, #tpu.memory_space<semaphore_mem>>, %arg16: memref<!tpu.dma_semaphore, #tpu.memory_space<semaphore_mem>>, %arg17: memref<!tpu.dma_semaphore, #tpu.memory_space<semaphore_mem>>) attributes {dimension_semantics = [#tpu.dimension_semantics<core_parallel>, #tpu.dimension_semantics<subcore_parallel>], iteration_bounds = array<i64: 2, 16>, scalar_prefetch = 0 : i64, scratch_operands = 13 : i64, tpu.core_type = #tpu.core_type<sc_vector_subcore>, window_params = [{transform_indices = #map}, {transform_indices = #map}, {transform_indices = #map1}]} {
    %jit3A = arith.constant 8 : i32
    %eq3A = arith.constant 0 : i32
    %eq3A_0 = arith.cmpi eq, %jit3A, %eq3A : i32
    %jit3A_1 = arith.constant 1 : i32
    %select_n3A = arith.select %eq3A_0, %jit3A_1, %jit3A : i32
    %rem3A = arith.remsi %arg1, %select_n3A : i32
    %ne3A = arith.constant 0 : i32
    %ne3A_2 = arith.cmpi ne, %rem3A, %ne3A : i32
    %lt3A = arith.constant 0 : i32
    %lt3A_3 = arith.cmpi slt, %rem3A, %lt3A : i32
    %lt3A_4 = arith.constant 0 : i32
    %lt3A_5 = arith.cmpi slt, %select_n3A, %lt3A_4 : i32
    %ne3A_6 = arith.xori %lt3A_3, %lt3A_5 : i1
    %and3A = arith.andi %ne3A_6, %ne3A_2 : i1
    %add3A = arith.addi %rem3A, %select_n3A : i32
    %select_n3A_7 = arith.select %and3A, %add3A, %rem3A : i32
    %jit3A_8 = arith.constant 8 : i32
    %div3A = arith.divsi %arg1, %jit3A_8 : i32
    %sign3A = arith.constant 0 : i32
    %sign3A_9 = arith.cmpi sgt, %arg1, %sign3A : i32
    %sign3A_10 = arith.extui %sign3A_9 : i1 to i32
    %sign3A_11 = arith.constant 0 : i32
    %sign3A_12 = arith.cmpi slt, %arg1, %sign3A_11 : i32
    %sign3A_13 = arith.extui %sign3A_12 : i1 to i32
    %sign3A_14 = arith.subi %sign3A_10, %sign3A_13 : i32
    %sign3A_15 = arith.constant 0 : i32
    %sign3A_16 = arith.cmpi sgt, %jit3A_8, %sign3A_15 : i32
    %sign3A_17 = arith.extui %sign3A_16 : i1 to i32
    %sign3A_18 = arith.constant 0 : i32
    %sign3A_19 = arith.cmpi slt, %jit3A_8, %sign3A_18 : i32
    %sign3A_20 = arith.extui %sign3A_19 : i1 to i32
    %sign3A_21 = arith.subi %sign3A_17, %sign3A_20 : i32
    %ne3A_22 = arith.cmpi ne, %sign3A_14, %sign3A_21 : i32
    %rem3A_23 = arith.remsi %arg1, %jit3A_8 : i32
    %ne3A_24 = arith.constant 0 : i32
    %ne3A_25 = arith.cmpi ne, %rem3A_23, %ne3A_24 : i32
    %and3A_26 = arith.andi %ne3A_22, %ne3A_25 : i1
    %sub3A = arith.constant 1 : i32
    %sub3A_27 = arith.subi %div3A, %sub3A : i32
    %select_n3A_28 = arith.select %and3A_26, %sub3A_27, %div3A : i32
    %mul3A = arith.constant 16 : i32
    %mul3A_29 = arith.muli %select_n3A_7, %mul3A : i32
    %mul3A_30 = arith.constant 160000 : i32
    %mul3A_31 = arith.muli %arg0, %mul3A_30 : i32
    %mul3A_32 = arith.constant 5000 : i32
    %mul3A_33 = arith.muli %select_n3A_28, %mul3A_32 : i32
    %iota3A = tpu.iota {dimensions = array<i32: 0>} : vector<16xi32>
    %mul3A_34 = arith.constant 16 : i32
    %mul3A_35 = arith.muli %mul3A_33, %mul3A_34 : i32
    %sub3A_36 = vector.broadcast %mul3A_35 : i32 to vector<16xi32>
    %sub3A_37 = arith.subi %iota3A, %sub3A_36 : vector<16xi32>
    %broadcast_in_dim3A = arith.constant 0.000000e+00 : f32
    %broadcast_in_dim3A_38 = vector.broadcast %broadcast_in_dim3A : f32 to vector<16xf32>
    %scan3A = arith.constant 0 : i32
    %scan3A_39 = arith.constant 0 : i32
    %scan3A_40 = arith.constant 5000 : i32
    %scan3A_41 = arith.addi %scan3A_39, %scan3A_40 : i32
    %scan3A_42 = arith.constant 1 : i32
    scf.for %scan3A_60 = %scan3A_39 to %scan3A_41 step %scan3A_42  : i32 {
      %mul3A_61 = arith.constant 16 : i32
      %mul3A_62 = arith.muli %scan3A_60, %mul3A_61 : i32
      %swap3A = arith.index_cast %mul3A_62 : i32 to index
      %swap3A_63 = tpu.vector_load %arg9[%swap3A] {strides = array<i32>} : memref<80000xf32, #tpu.memory_space<vmem>>, vector<16xf32>,
      tpu.vector_store %arg9[%swap3A], %broadcast_in_dim3A_38 {strides = array<i32>} : memref<80000xf32, #tpu.memory_space<vmem>>, vector<16xf32>,
    }
    %scan3A_43 = arith.constant 5000 : i32
    %eq3A_44 = arith.constant 0 : i32
    %eq3A_45 = arith.cmpi eq, %arg1, %eq3A_44 : i32
    %convert_element_type3A = arith.extui %eq3A_45 : i1 to i32
    %cond3A = arith.constant 0 : i32
    %cond3A_46 = arith.cmpi ne, %convert_element_type3A, %cond3A : i32
    scf.if %cond3A_46 {
      %add3A_60 = arith.constant 0 : i32
      %add3A_61 = arith.addi %mul3A_31, %add3A_60 : i32
      %dma_start3A_62 = arith.constant 0 : i32
      %dma_start3A_63 = tpu.memref_slice %arg2[%add3A_61, %dma_start3A_62] : memref<320000x128xi32, #tpu.memory_space<hbm>> -> memref<500x128xi32, #tpu.memory_space<hbm>>
      tpu.enqueue_dma source(%dma_start3A_63 : memref<500x128xi32, #tpu.memory_space<hbm>>) target(%arg10 : memref<500x128xi32, #tpu.memory_space<vmem_shared>>) target_semaphore(%arg14 : memref<!tpu.dma_semaphore, #tpu.memory_space<semaphore_mem>>)
      %dma_start3A_64 = arith.constant 0 : i32
      %dma_start3A_65 = tpu.memref_slice %arg3[%add3A_61, %dma_start3A_64] : memref<320000x128xf32, #tpu.memory_space<hbm>> -> memref<500x128xf32, #tpu.memory_space<hbm>>
      tpu.enqueue_dma source(%dma_start3A_65 : memref<500x128xf32, #tpu.memory_space<hbm>>) target(%arg12 : memref<500x128xf32, #tpu.memory_space<vmem_shared>>) target_semaphore(%arg14 : memref<!tpu.dma_semaphore, #tpu.memory_space<semaphore_mem>>)
      %add3A_66 = arith.constant 500 : i32
      %add3A_67 = arith.addi %mul3A_31, %add3A_66 : i32
      %dma_start3A_68 = arith.constant 0 : i32
      %dma_start3A_69 = tpu.memref_slice %arg2[%add3A_67, %dma_start3A_68] : memref<320000x128xi32, #tpu.memory_space<hbm>> -> memref<500x128xi32, #tpu.memory_space<hbm>>
      tpu.enqueue_dma source(%dma_start3A_69 : memref<500x128xi32, #tpu.memory_space<hbm>>) target(%arg11 : memref<500x128xi32, #tpu.memory_space<vmem_shared>>) target_semaphore(%arg15 : memref<!tpu.dma_semaphore, #tpu.memory_space<semaphore_mem>>)
      %dma_start3A_70 = arith.constant 0 : i32
      %dma_start3A_71 = tpu.memref_slice %arg3[%add3A_67, %dma_start3A_70] : memref<320000x128xf32, #tpu.memory_space<hbm>> -> memref<500x128xf32, #tpu.memory_space<hbm>>
      tpu.enqueue_dma source(%dma_start3A_71 : memref<500x128xf32, #tpu.memory_space<hbm>>) target(%arg13 : memref<500x128xf32, #tpu.memory_space<vmem_shared>>) target_semaphore(%arg15 : memref<!tpu.dma_semaphore, #tpu.memory_space<semaphore_mem>>)
      %dma_wait3A = arith.constant 0 : i32
      %dma_wait3A_72 = arith.constant 0 : i32
      %dma_wait3A_73 = tpu.memref_slice %arg2[%dma_wait3A, %dma_wait3A_72] : memref<320000x128xi32, #tpu.memory_space<hbm>> -> memref<500x128xi32, #tpu.memory_space<hbm>>
      tpu.wait_dma2 semaphore(%arg14 : memref<!tpu.dma_semaphore, #tpu.memory_space<semaphore_mem>>) src(%dma_wait3A_73 : memref<500x128xi32, #tpu.memory_space<hbm>>) dst(%arg10 : memref<500x128xi32, #tpu.memory_space<vmem_shared>>)
      %dma_wait3A_74 = arith.constant 0 : i32
      %dma_wait3A_75 = arith.constant 0 : i32
      %dma_wait3A_76 = tpu.memref_slice %arg3[%dma_wait3A_74, %dma_wait3A_75] : memref<320000x128xf32, #tpu.memory_space<hbm>> -> memref<500x128xf32, #tpu.memory_space<hbm>>
      tpu.wait_dma2 semaphore(%arg14 : memref<!tpu.dma_semaphore, #tpu.memory_space<semaphore_mem>>) src(%dma_wait3A_76 : memref<500x128xf32, #tpu.memory_space<hbm>>) dst(%arg12 : memref<500x128xf32, #tpu.memory_space<vmem_shared>>)
    } else {
    }
    %barrier3A = arith.constant 0 : index
    tpu.barrier barrier_id(%barrier3A)
    %dma_start3A = arith.constant 0 : i32
    %dma_start3A_47 = tpu.memref_slice %arg10[%dma_start3A, %mul3A_29] : memref<500x128xi32, #tpu.memory_space<vmem_shared>> -> memref<500x16xi32, #tpu.memory_space<vmem_shared>>
    %dma_start3A_48 = arith.constant 0 : i32
    %dma_start3A_49 = tpu.memref_slice %arg10[%dma_start3A_48, %mul3A_29] : memref<500x128xi32, #tpu.memory_space<vmem_shared>> -> memref<500x16xi32, #tpu.memory_space<vmem_shared>>
    tpu.enqueue_dma source(%dma_start3A_49 : memref<500x16xi32, #tpu.memory_space<vmem_shared>>) target(%arg5 : memref<500x16xi32, #tpu.memory_space<vmem>>) target_semaphore(%arg16 : memref<!tpu.dma_semaphore, #tpu.memory_space<semaphore_mem>>)
    %dma_start3A_50 = arith.constant 0 : i32
    %dma_start3A_51 = tpu.memref_slice %arg12[%dma_start3A_50, %mul3A_29] : memref<500x128xf32, #tpu.memory_space<vmem_shared>> -> memref<500x16xf32, #tpu.memory_space<vmem_shared>>
    %dma_start3A_52 = arith.constant 0 : i32
    %dma_start3A_53 = tpu.memref_slice %arg12[%dma_start3A_52, %mul3A_29] : memref<500x128xf32, #tpu.memory_space<vmem_shared>> -> memref<500x16xf32, #tpu.memory_space<vmem_shared>>
    tpu.enqueue_dma source(%dma_start3A_53 : memref<500x16xf32, #tpu.memory_space<vmem_shared>>) target(%arg7 : memref<500x16xf32, #tpu.memory_space<vmem>>) target_semaphore(%arg16 : memref<!tpu.dma_semaphore, #tpu.memory_space<semaphore_mem>>)
    %scan3A_54 = arith.constant 0 : i32
    %scan3A_55 = arith.constant 0 : i32
    %scan3A_56 = arith.constant 160 : i32
    %scan3A_57 = arith.addi %scan3A_55, %scan3A_56 : i32
    %scan3A_58 = arith.constant 1 : i32
    scf.for %scan3A_60 = %scan3A_55 to %scan3A_57 step %scan3A_58  : i32 {
      %mul3A_61 = arith.constant 2 : i32
      %mul3A_62 = arith.muli %mul3A_61, %scan3A_60 : i32
      %add3A_63 = arith.constant 0 : i32
      %add3A_64 = arith.addi %mul3A_62, %add3A_63 : i32
      %dma_wait3A = arith.constant 0 : i32
      %dma_wait3A_65 = tpu.memref_slice %arg10[%dma_wait3A, %mul3A_29] : memref<500x128xi32, #tpu.memory_space<vmem_shared>> -> memref<500x16xi32, #tpu.memory_space<vmem_shared>>
      %dma_wait3A_66 = arith.constant 0 : i32
      %dma_wait3A_67 = tpu.memref_slice %arg10[%dma_wait3A_66, %mul3A_29] : memref<500x128xi32, #tpu.memory_space<vmem_shared>> -> memref<500x16xi32, #tpu.memory_space<vmem_shared>>
      tpu.wait_dma2 semaphore(%arg16 : memref<!tpu.dma_semaphore, #tpu.memory_space<semaphore_mem>>) src(%dma_wait3A_67 : memref<500x16xi32, #tpu.memory_space<vmem_shared>>) dst(%arg5 : memref<500x16xi32, #tpu.memory_space<vmem>>)
      %dma_wait3A_68 = arith.constant 0 : i32
      %dma_wait3A_69 = tpu.memref_slice %arg12[%dma_wait3A_68, %mul3A_29] : memref<500x128xf32, #tpu.memory_space<vmem_shared>> -> memref<500x16xf32, #tpu.memory_space<vmem_shared>>
      %dma_wait3A_70 = arith.constant 0 : i32
      %dma_wait3A_71 = tpu.memref_slice %arg12[%dma_wait3A_70, %mul3A_29] : memref<500x128xf32, #tpu.memory_space<vmem_shared>> -> memref<500x16xf32, #tpu.memory_space<vmem_shared>>
      tpu.wait_dma2 semaphore(%arg16 : memref<!tpu.dma_semaphore, #tpu.memory_space<semaphore_mem>>) src(%dma_wait3A_71 : memref<500x16xf32, #tpu.memory_space<vmem_shared>>) dst(%arg7 : memref<500x16xf32, #tpu.memory_space<vmem>>)
      %barrier3A_72 = arith.constant 0 : index
      tpu.barrier barrier_id(%barrier3A_72)
      %eq3A_73 = arith.constant 0 : i32
      %eq3A_74 = arith.cmpi eq, %arg1, %eq3A_73 : i32
      %add3A_75 = arith.constant 2 : i32
      %add3A_76 = arith.addi %add3A_64, %add3A_75 : i32
      %lt3A_77 = arith.constant 320 : i32
      %lt3A_78 = arith.cmpi slt, %add3A_76, %lt3A_77 : i32
      %and3A_79 = arith.andi %eq3A_74, %lt3A_78 : i1
      %convert_element_type3A_80 = arith.extui %and3A_79 : i1 to i32
      %cond3A_81 = arith.constant 0 : i32
      %cond3A_82 = arith.cmpi ne, %convert_element_type3A_80, %cond3A_81 : i32
      scf.if %cond3A_82 {
        %add3A_147 = arith.constant 2 : i32
        %add3A_148 = arith.addi %add3A_64, %add3A_147 : i32
        %mul3A_149 = arith.constant 500 : i32
        %mul3A_150 = arith.muli %add3A_148, %mul3A_149 : i32
        %add3A_151 = arith.addi %mul3A_31, %mul3A_150 : i32
        %dma_start3A_152 = arith.constant 0 : i32
        %dma_start3A_153 = tpu.memref_slice %arg2[%add3A_151, %dma_start3A_152] : memref<320000x128xi32, #tpu.memory_space<hbm>> -> memref<500x128xi32, #tpu.memory_space<hbm>>
        tpu.enqueue_dma source(%dma_start3A_153 : memref<500x128xi32, #tpu.memory_space<hbm>>) target(%arg10 : memref<500x128xi32, #tpu.memory_space<vmem_shared>>) target_semaphore(%arg14 : memref<!tpu.dma_semaphore, #tpu.memory_space<semaphore_mem>>)
        %dma_start3A_154 = arith.constant 0 : i32
        %dma_start3A_155 = tpu.memref_slice %arg3[%add3A_151, %dma_start3A_154] : memref<320000x128xf32, #tpu.memory_space<hbm>> -> memref<500x128xf32, #tpu.memory_space<hbm>>
        tpu.enqueue_dma source(%dma_start3A_155 : memref<500x128xf32, #tpu.memory_space<hbm>>) target(%arg12 : memref<500x128xf32, #tpu.memory_space<vmem_shared>>) target_semaphore(%arg14 : memref<!tpu.dma_semaphore, #tpu.memory_space<semaphore_mem>>)
      } else {
      }
      %eq3A_83 = arith.constant 0 : i32
      %eq3A_84 = arith.cmpi eq, %arg1, %eq3A_83 : i32
      %add3A_85 = arith.constant 1 : i32
      %add3A_86 = arith.addi %add3A_64, %add3A_85 : i32
      %lt3A_87 = arith.constant 320 : i32
      %lt3A_88 = arith.cmpi slt, %add3A_86, %lt3A_87 : i32
      %and3A_89 = arith.andi %eq3A_84, %lt3A_88 : i1
      %convert_element_type3A_90 = arith.extui %and3A_89 : i1 to i32
      %cond3A_91 = arith.constant 0 : i32
      %cond3A_92 = arith.cmpi ne, %convert_element_type3A_90, %cond3A_91 : i32
      scf.if %cond3A_92 {
        %dma_wait3A_147 = arith.constant 0 : i32
        %dma_wait3A_148 = arith.constant 0 : i32
        %dma_wait3A_149 = tpu.memref_slice %arg2[%dma_wait3A_147, %dma_wait3A_148] : memref<320000x128xi32, #tpu.memory_space<hbm>> -> memref<500x128xi32, #tpu.memory_space<hbm>>
        tpu.wait_dma2 semaphore(%arg15 : memref<!tpu.dma_semaphore, #tpu.memory_space<semaphore_mem>>) src(%dma_wait3A_149 : memref<500x128xi32, #tpu.memory_space<hbm>>) dst(%arg11 : memref<500x128xi32, #tpu.memory_space<vmem_shared>>)
        %dma_wait3A_150 = arith.constant 0 : i32
        %dma_wait3A_151 = arith.constant 0 : i32
        %dma_wait3A_152 = tpu.memref_slice %arg3[%dma_wait3A_150, %dma_wait3A_151] : memref<320000x128xf32, #tpu.memory_space<hbm>> -> memref<500x128xf32, #tpu.memory_space<hbm>>
        tpu.wait_dma2 semaphore(%arg15 : memref<!tpu.dma_semaphore, #tpu.memory_space<semaphore_mem>>) src(%dma_wait3A_152 : memref<500x128xf32, #tpu.memory_space<hbm>>) dst(%arg13 : memref<500x128xf32, #tpu.memory_space<vmem_shared>>)
      } else {
      }
      %barrier3A_93 = arith.constant 0 : index
      tpu.barrier barrier_id(%barrier3A_93)
      %add3A_94 = arith.constant 1 : i32
      %add3A_95 = arith.addi %add3A_64, %add3A_94 : i32
      %lt3A_96 = arith.constant 320 : i32
      %lt3A_97 = arith.cmpi slt, %add3A_95, %lt3A_96 : i32
      %convert_element_type3A_98 = arith.extui %lt3A_97 : i1 to i32
      %cond3A_99 = arith.constant 0 : i32
      %cond3A_100 = arith.cmpi ne, %convert_element_type3A_98, %cond3A_99 : i32
      scf.if %cond3A_100 {
        %dma_start3A_147 = arith.constant 0 : i32
        %dma_start3A_148 = tpu.memref_slice %arg11[%dma_start3A_147, %mul3A_29] : memref<500x128xi32, #tpu.memory_space<vmem_shared>> -> memref<500x16xi32, #tpu.memory_space<vmem_shared>>
        %dma_start3A_149 = arith.constant 0 : i32
        %dma_start3A_150 = tpu.memref_slice %arg11[%dma_start3A_149, %mul3A_29] : memref<500x128xi32, #tpu.memory_space<vmem_shared>> -> memref<500x16xi32, #tpu.memory_space<vmem_shared>>
        tpu.enqueue_dma source(%dma_start3A_150 : memref<500x16xi32, #tpu.memory_space<vmem_shared>>) target(%arg6 : memref<500x16xi32, #tpu.memory_space<vmem>>) target_semaphore(%arg17 : memref<!tpu.dma_semaphore, #tpu.memory_space<semaphore_mem>>)
        %dma_start3A_151 = arith.constant 0 : i32
        %dma_start3A_152 = tpu.memref_slice %arg13[%dma_start3A_151, %mul3A_29] : memref<500x128xf32, #tpu.memory_space<vmem_shared>> -> memref<500x16xf32, #tpu.memory_space<vmem_shared>>
        %dma_start3A_153 = arith.constant 0 : i32
        %dma_start3A_154 = tpu.memref_slice %arg13[%dma_start3A_153, %mul3A_29] : memref<500x128xf32, #tpu.memory_space<vmem_shared>> -> memref<500x16xf32, #tpu.memory_space<vmem_shared>>
        tpu.enqueue_dma source(%dma_start3A_154 : memref<500x16xf32, #tpu.memory_space<vmem_shared>>) target(%arg8 : memref<500x16xf32, #tpu.memory_space<vmem>>) target_semaphore(%arg17 : memref<!tpu.dma_semaphore, #tpu.memory_space<semaphore_mem>>)
      } else {
      }
      %parallel_loop3A = arith.constant 0 : i32
      %parallel_loop3A_101 = arith.constant 500 : i32
      %parallel_loop3A_102 = arith.constant 1 : i32
      scf.for %parallel_loop3A_147 = %parallel_loop3A to %parallel_loop3A_101 step %parallel_loop3A_102  : i32 {
        %parallel_loop3A_148 = arith.index_cast %parallel_loop3A_147 : i32 to index
        %parallel_loop3A_149 = arith.constant 0 : index
        %parallel_loop3A_150 = tpu.vector_load %arg5[%parallel_loop3A_148, %parallel_loop3A_149] {strides = array<i32>} : memref<500x16xi32, #tpu.memory_space<vmem>>, vector<16xi32>,
        %parallel_loop3A_151 = arith.index_cast %parallel_loop3A_147 : i32 to index
        %parallel_loop3A_152 = arith.constant 0 : index
        %parallel_loop3A_153 = tpu.vector_load %arg7[%parallel_loop3A_151, %parallel_loop3A_152] {strides = array<i32>} : memref<500x16xf32, #tpu.memory_space<vmem>>, vector<16xf32>,
        %parallel_loop3A_154 = arith.constant 16 : i32
        %parallel_loop3A_155 = vector.broadcast %parallel_loop3A_154 : i32 to vector<16xi32>
        %parallel_loop3A_156 = arith.muli %parallel_loop3A_150, %parallel_loop3A_155 : vector<16xi32>
        %parallel_loop3A_157 = arith.addi %parallel_loop3A_156, %sub3A_37 : vector<16xi32>
        %parallel_loop3A_158 = arith.constant 80000 : i32
        %parallel_loop3A_159 = vector.broadcast %parallel_loop3A_158 : i32 to vector<16xi32>
        %parallel_loop3A_160 = arith.cmpi ult, %parallel_loop3A_157, %parallel_loop3A_159 : vector<16xi32>
        %parallel_loop3A_161 = arith.constant 0 : i32
        %parallel_loop3A_162 = vector.broadcast %parallel_loop3A_161 : i32 to vector<16xi32>
        %parallel_loop3A_163 = arith.select %parallel_loop3A_160, %parallel_loop3A_157, %parallel_loop3A_162 : vector<16xi1>, vector<16xi32>
        tpu.vector_store_idx %arg9[%parallel_loop3A_163], %parallel_loop3A_153 masked %parallel_loop3A_160 {add = true} : memref<80000xf32, #tpu.memory_space<vmem>>[vector<16xi32>], vector<16xf32>, vector<16xi1>
      } {sc.loop_unroll_factor = 8 : i64, sc.parallel_access}
      %mul3A_103 = arith.constant 2 : i32
      %mul3A_104 = arith.muli %mul3A_103, %scan3A_60 : i32
      %add3A_105 = arith.constant 1 : i32
      %add3A_106 = arith.addi %mul3A_104, %add3A_105 : i32
      %dma_wait3A_107 = arith.constant 0 : i32
      %dma_wait3A_108 = tpu.memref_slice %arg11[%dma_wait3A_107, %mul3A_29] : memref<500x128xi32, #tpu.memory_space<vmem_shared>> -> memref<500x16xi32, #tpu.memory_space<vmem_shared>>
      %dma_wait3A_109 = arith.constant 0 : i32
      %dma_wait3A_110 = tpu.memref_slice %arg11[%dma_wait3A_109, %mul3A_29] : memref<500x128xi32, #tpu.memory_space<vmem_shared>> -> memref<500x16xi32, #tpu.memory_space<vmem_shared>>
      tpu.wait_dma2 semaphore(%arg17 : memref<!tpu.dma_semaphore, #tpu.memory_space<semaphore_mem>>) src(%dma_wait3A_110 : memref<500x16xi32, #tpu.memory_space<vmem_shared>>) dst(%arg6 : memref<500x16xi32, #tpu.memory_space<vmem>>)
      %dma_wait3A_111 = arith.constant 0 : i32
      %dma_wait3A_112 = tpu.memref_slice %arg13[%dma_wait3A_111, %mul3A_29] : memref<500x128xf32, #tpu.memory_space<vmem_shared>> -> memref<500x16xf32, #tpu.memory_space<vmem_shared>>
      %dma_wait3A_113 = arith.constant 0 : i32
      %dma_wait3A_114 = tpu.memref_slice %arg13[%dma_wait3A_113, %mul3A_29] : memref<500x128xf32, #tpu.memory_space<vmem_shared>> -> memref<500x16xf32, #tpu.memory_space<vmem_shared>>
      tpu.wait_dma2 semaphore(%arg17 : memref<!tpu.dma_semaphore, #tpu.memory_space<semaphore_mem>>) src(%dma_wait3A_114 : memref<500x16xf32, #tpu.memory_space<vmem_shared>>) dst(%arg8 : memref<500x16xf32, #tpu.memory_space<vmem>>)
      %barrier3A_115 = arith.constant 0 : index
      tpu.barrier barrier_id(%barrier3A_115)
      %eq3A_116 = arith.constant 0 : i32
      %eq3A_117 = arith.cmpi eq, %arg1, %eq3A_116 : i32
      %add3A_118 = arith.constant 2 : i32
      %add3A_119 = arith.addi %add3A_106, %add3A_118 : i32
      %lt3A_120 = arith.constant 320 : i32
      %lt3A_121 = arith.cmpi slt, %add3A_119, %lt3A_120 : i32
      %and3A_122 = arith.andi %eq3A_117, %lt3A_121 : i1
      %convert_element_type3A_123 = arith.extui %and3A_122 : i1 to i32
      %cond3A_124 = arith.constant 0 : i32
      %cond3A_125 = arith.cmpi ne, %convert_element_type3A_123, %cond3A_124 : i32
      scf.if %cond3A_125 {
        %add3A_147 = arith.constant 2 : i32
        %add3A_148 = arith.addi %add3A_106, %add3A_147 : i32
        %mul3A_149 = arith.constant 500 : i32
        %mul3A_150 = arith.muli %add3A_148, %mul3A_149 : i32
        %add3A_151 = arith.addi %mul3A_31, %mul3A_150 : i32
        %dma_start3A_152 = arith.constant 0 : i32
        %dma_start3A_153 = tpu.memref_slice %arg2[%add3A_151, %dma_start3A_152] : memref<320000x128xi32, #tpu.memory_space<hbm>> -> memref<500x128xi32, #tpu.memory_space<hbm>>
        tpu.enqueue_dma source(%dma_start3A_153 : memref<500x128xi32, #tpu.memory_space<hbm>>) target(%arg11 : memref<500x128xi32, #tpu.memory_space<vmem_shared>>) target_semaphore(%arg15 : memref<!tpu.dma_semaphore, #tpu.memory_space<semaphore_mem>>)
        %dma_start3A_154 = arith.constant 0 : i32
        %dma_start3A_155 = tpu.memref_slice %arg3[%add3A_151, %dma_start3A_154] : memref<320000x128xf32, #tpu.memory_space<hbm>> -> memref<500x128xf32, #tpu.memory_space<hbm>>
        tpu.enqueue_dma source(%dma_start3A_155 : memref<500x128xf32, #tpu.memory_space<hbm>>) target(%arg13 : memref<500x128xf32, #tpu.memory_space<vmem_shared>>) target_semaphore(%arg15 : memref<!tpu.dma_semaphore, #tpu.memory_space<semaphore_mem>>)
      } else {
      }
      %eq3A_126 = arith.constant 0 : i32
      %eq3A_127 = arith.cmpi eq, %arg1, %eq3A_126 : i32
      %add3A_128 = arith.constant 1 : i32
      %add3A_129 = arith.addi %add3A_106, %add3A_128 : i32
      %lt3A_130 = arith.constant 320 : i32
      %lt3A_131 = arith.cmpi slt, %add3A_129, %lt3A_130 : i32
      %and3A_132 = arith.andi %eq3A_127, %lt3A_131 : i1
      %convert_element_type3A_133 = arith.extui %and3A_132 : i1 to i32
      %cond3A_134 = arith.constant 0 : i32
      %cond3A_135 = arith.cmpi ne, %convert_element_type3A_133, %cond3A_134 : i32
      scf.if %cond3A_135 {
        %dma_wait3A_147 = arith.constant 0 : i32
        %dma_wait3A_148 = arith.constant 0 : i32
        %dma_wait3A_149 = tpu.memref_slice %arg2[%dma_wait3A_147, %dma_wait3A_148] : memref<320000x128xi32, #tpu.memory_space<hbm>> -> memref<500x128xi32, #tpu.memory_space<hbm>>
        tpu.wait_dma2 semaphore(%arg14 : memref<!tpu.dma_semaphore, #tpu.memory_space<semaphore_mem>>) src(%dma_wait3A_149 : memref<500x128xi32, #tpu.memory_space<hbm>>) dst(%arg10 : memref<500x128xi32, #tpu.memory_space<vmem_shared>>)
        %dma_wait3A_150 = arith.constant 0 : i32
        %dma_wait3A_151 = arith.constant 0 : i32
        %dma_wait3A_152 = tpu.memref_slice %arg3[%dma_wait3A_150, %dma_wait3A_151] : memref<320000x128xf32, #tpu.memory_space<hbm>> -> memref<500x128xf32, #tpu.memory_space<hbm>>
        tpu.wait_dma2 semaphore(%arg14 : memref<!tpu.dma_semaphore, #tpu.memory_space<semaphore_mem>>) src(%dma_wait3A_152 : memref<500x128xf32, #tpu.memory_space<hbm>>) dst(%arg12 : memref<500x128xf32, #tpu.memory_space<vmem_shared>>)
      } else {
      }
      %barrier3A_136 = arith.constant 0 : index
      tpu.barrier barrier_id(%barrier3A_136)
      %add3A_137 = arith.constant 1 : i32
      %add3A_138 = arith.addi %add3A_106, %add3A_137 : i32
      %lt3A_139 = arith.constant 320 : i32
      %lt3A_140 = arith.cmpi slt, %add3A_138, %lt3A_139 : i32
      %convert_element_type3A_141 = arith.extui %lt3A_140 : i1 to i32
      %cond3A_142 = arith.constant 0 : i32
      %cond3A_143 = arith.cmpi ne, %convert_element_type3A_141, %cond3A_142 : i32
      scf.if %cond3A_143 {
        %dma_start3A_147 = arith.constant 0 : i32
        %dma_start3A_148 = tpu.memref_slice %arg10[%dma_start3A_147, %mul3A_29] : memref<500x128xi32, #tpu.memory_space<vmem_shared>> -> memref<500x16xi32, #tpu.memory_space<vmem_shared>>
        %dma_start3A_149 = arith.constant 0 : i32
        %dma_start3A_150 = tpu.memref_slice %arg10[%dma_start3A_149, %mul3A_29] : memref<500x128xi32, #tpu.memory_space<vmem_shared>> -> memref<500x16xi32, #tpu.memory_space<vmem_shared>>
        tpu.enqueue_dma source(%dma_start3A_150 : memref<500x16xi32, #tpu.memory_space<vmem_shared>>) target(%arg5 : memref<500x16xi32, #tpu.memory_space<vmem>>) target_semaphore(%arg16 : memref<!tpu.dma_semaphore, #tpu.memory_space<semaphore_mem>>)
        %dma_start3A_151 = arith.constant 0 : i32
        %dma_start3A_152 = tpu.memref_slice %arg12[%dma_start3A_151, %mul3A_29] : memref<500x128xf32, #tpu.memory_space<vmem_shared>> -> memref<500x16xf32, #tpu.memory_space<vmem_shared>>
        %dma_start3A_153 = arith.constant 0 : i32
        %dma_start3A_154 = tpu.memref_slice %arg12[%dma_start3A_153, %mul3A_29] : memref<500x128xf32, #tpu.memory_space<vmem_shared>> -> memref<500x16xf32, #tpu.memory_space<vmem_shared>>
        tpu.enqueue_dma source(%dma_start3A_154 : memref<500x16xf32, #tpu.memory_space<vmem_shared>>) target(%arg7 : memref<500x16xf32, #tpu.memory_space<vmem>>) target_semaphore(%arg16 : memref<!tpu.dma_semaphore, #tpu.memory_space<semaphore_mem>>)
      } else {
      }
      %parallel_loop3A_144 = arith.constant 0 : i32
      %parallel_loop3A_145 = arith.constant 500 : i32
      %parallel_loop3A_146 = arith.constant 1 : i32
      scf.for %parallel_loop3A_147 = %parallel_loop3A_144 to %parallel_loop3A_145 step %parallel_loop3A_146  : i32 {
        %parallel_loop3A_148 = arith.index_cast %parallel_loop3A_147 : i32 to index
        %parallel_loop3A_149 = arith.constant 0 : index
        %parallel_loop3A_150 = tpu.vector_load %arg6[%parallel_loop3A_148, %parallel_loop3A_149] {strides = array<i32>} : memref<500x16xi32, #tpu.memory_space<vmem>>, vector<16xi32>,
        %parallel_loop3A_151 = arith.index_cast %parallel_loop3A_147 : i32 to index
        %parallel_loop3A_152 = arith.constant 0 : index
        %parallel_loop3A_153 = tpu.vector_load %arg8[%parallel_loop3A_151, %parallel_loop3A_152] {strides = array<i32>} : memref<500x16xf32, #tpu.memory_space<vmem>>, vector<16xf32>,
        %parallel_loop3A_154 = arith.constant 16 : i32
        %parallel_loop3A_155 = vector.broadcast %parallel_loop3A_154 : i32 to vector<16xi32>
        %parallel_loop3A_156 = arith.muli %parallel_loop3A_150, %parallel_loop3A_155 : vector<16xi32>
        %parallel_loop3A_157 = arith.addi %parallel_loop3A_156, %sub3A_37 : vector<16xi32>
        %parallel_loop3A_158 = arith.constant 80000 : i32
        %parallel_loop3A_159 = vector.broadcast %parallel_loop3A_158 : i32 to vector<16xi32>
        %parallel_loop3A_160 = arith.cmpi ult, %parallel_loop3A_157, %parallel_loop3A_159 : vector<16xi32>
        %parallel_loop3A_161 = arith.constant 0 : i32
        %parallel_loop3A_162 = vector.broadcast %parallel_loop3A_161 : i32 to vector<16xi32>
        %parallel_loop3A_163 = arith.select %parallel_loop3A_160, %parallel_loop3A_157, %parallel_loop3A_162 : vector<16xi1>, vector<16xi32>
        tpu.vector_store_idx %arg9[%parallel_loop3A_163], %parallel_loop3A_153 masked %parallel_loop3A_160 {add = true} : memref<80000xf32, #tpu.memory_space<vmem>>[vector<16xi32>], vector<16xf32>, vector<16xi1>
      } {sc.loop_unroll_factor = 8 : i64, sc.parallel_access}
    }
    %scan3A_59 = arith.constant 160 : i32
    "tpu.region"() ({
      %run_scoped3A = tpu.sem_alloc : memref<!tpu.dma_semaphore, #tpu.memory_space<semaphore_mem>>
      %dma_start3A_60 = arith.constant 0 : i32
      %dma_start3A_61 = tpu.memref_slice %arg4[%arg0, %select_n3A_28, %select_n3A_7, %dma_start3A_60] : memref<2x2x8x80000xf32, #tpu.memory_space<hbm>> -> memref<1x1x1x80000xf32, #tpu.memory_space<hbm>>
      %dma_start3A_62 = tpu.memref_squeeze %dma_start3A_61 : memref<1x1x1x80000xf32, #tpu.memory_space<hbm>> -> memref<80000xf32, #tpu.memory_space<hbm>>
      %dma_start3A_63 = arith.constant 0 : i32
      %dma_start3A_64 = tpu.memref_slice %arg4[%arg0, %select_n3A_28, %select_n3A_7, %dma_start3A_63] : memref<2x2x8x80000xf32, #tpu.memory_space<hbm>> -> memref<1x1x1x80000xf32, #tpu.memory_space<hbm>>
      %dma_start3A_65 = tpu.memref_squeeze %dma_start3A_64 : memref<1x1x1x80000xf32, #tpu.memory_space<hbm>> -> memref<80000xf32, #tpu.memory_space<hbm>>
      tpu.enqueue_dma source(%arg9 : memref<80000xf32, #tpu.memory_space<vmem>>) target(%dma_start3A_65 : memref<80000xf32, #tpu.memory_space<hbm>>) target_semaphore(%run_scoped3A : memref<!tpu.dma_semaphore, #tpu.memory_space<semaphore_mem>>)
      %dma_wait3A = arith.constant 0 : i32
      %dma_wait3A_66 = tpu.memref_slice %arg4[%arg0, %select_n3A_28, %select_n3A_7, %dma_wait3A] : memref<2x2x8x80000xf32, #tpu.memory_space<hbm>> -> memref<1x1x1x80000xf32, #tpu.memory_space<hbm>>
      %dma_wait3A_67 = tpu.memref_squeeze %dma_wait3A_66 : memref<1x1x1x80000xf32, #tpu.memory_space<hbm>> -> memref<80000xf32, #tpu.memory_space<hbm>>
      %dma_wait3A_68 = arith.constant 0 : i32
      %dma_wait3A_69 = tpu.memref_slice %arg4[%arg0, %select_n3A_28, %select_n3A_7, %dma_wait3A_68] : memref<2x2x8x80000xf32, #tpu.memory_space<hbm>> -> memref<1x1x1x80000xf32, #tpu.memory_space<hbm>>
      %dma_wait3A_70 = tpu.memref_squeeze %dma_wait3A_69 : memref<1x1x1x80000xf32, #tpu.memory_space<hbm>> -> memref<80000xf32, #tpu.memory_space<hbm>>
      tpu.wait_dma2 semaphore(%run_scoped3A : memref<!tpu.dma_semaphore, #tpu.memory_space<semaphore_mem>>) src(%arg9 : memref<80000xf32, #tpu.memory_space<vmem>>) dst(%dma_wait3A_70 : memref<80000xf32, #tpu.memory_space<hbm>>)
      tpu.yield
    }) : () -> ()
    return
  }
}

#map = affine_map<(d0, d1) -> (0, 0)>
#map1 = affine_map<(d0, d1) -> (0, 0, 0, 0)>
module attributes {stable_mosaic.version = 14 : i64} {
  func.func @_combine(%arg0: i32, %arg1: i32, %arg2: memref<10000x128xf32, #tpu.memory_space<hbm>>, %arg3: memref<10000x128xf32, #tpu.memory_space<hbm>>, %arg4: memref<2x2x8x80000xf32, #tpu.memory_space<hbm>>, %arg5: memref<10000x128xf32, #tpu.memory_space<hbm>>, %arg6: memref<625x16xf32, #tpu.memory_space<vmem>>, %arg7: memref<625x16xf32, #tpu.memory_space<vmem>>, %arg8: memref<10000xf32, #tpu.memory_space<vmem>>, %arg9: memref<10000xf32, #tpu.memory_space<vmem>>, %arg10: memref<625x16xf32, #tpu.memory_space<vmem>>, %arg11: memref<!tpu.dma_semaphore, #tpu.memory_space<semaphore_mem>>) attributes {dimension_semantics = [#tpu.dimension_semantics<core_parallel>, #tpu.dimension_semantics<subcore_parallel>], iteration_bounds = array<i64: 2, 16>, scalar_prefetch = 0 : i64, scratch_operands = 6 : i64, tpu.core_type = #tpu.core_type<sc_vector_subcore>, window_params = [{transform_indices = #map}, {transform_indices = #map}, {transform_indices = #map1}, {transform_indices = #map}]} {
    %jit3A = arith.constant 8 : i32
    %eq3A = arith.constant 0 : i32
    %eq3A_0 = arith.cmpi eq, %jit3A, %eq3A : i32
    %jit3A_1 = arith.constant 1 : i32
    %select_n3A = arith.select %eq3A_0, %jit3A_1, %jit3A : i32
    %rem3A = arith.remsi %arg1, %select_n3A : i32
    %ne3A = arith.constant 0 : i32
    %ne3A_2 = arith.cmpi ne, %rem3A, %ne3A : i32
    %lt3A = arith.constant 0 : i32
    %lt3A_3 = arith.cmpi slt, %rem3A, %lt3A : i32
    %lt3A_4 = arith.constant 0 : i32
    %lt3A_5 = arith.cmpi slt, %select_n3A, %lt3A_4 : i32
    %ne3A_6 = arith.xori %lt3A_3, %lt3A_5 : i1
    %and3A = arith.andi %ne3A_6, %ne3A_2 : i1
    %add3A = arith.addi %rem3A, %select_n3A : i32
    %select_n3A_7 = arith.select %and3A, %add3A, %rem3A : i32
    %jit3A_8 = arith.constant 8 : i32
    %div3A = arith.divsi %arg1, %jit3A_8 : i32
    %sign3A = arith.constant 0 : i32
    %sign3A_9 = arith.cmpi sgt, %arg1, %sign3A : i32
    %sign3A_10 = arith.extui %sign3A_9 : i1 to i32
    %sign3A_11 = arith.constant 0 : i32
    %sign3A_12 = arith.cmpi slt, %arg1, %sign3A_11 : i32
    %sign3A_13 = arith.extui %sign3A_12 : i1 to i32
    %sign3A_14 = arith.subi %sign3A_10, %sign3A_13 : i32
    %sign3A_15 = arith.constant 0 : i32
    %sign3A_16 = arith.cmpi sgt, %jit3A_8, %sign3A_15 : i32
    %sign3A_17 = arith.extui %sign3A_16 : i1 to i32
    %sign3A_18 = arith.constant 0 : i32
    %sign3A_19 = arith.cmpi slt, %jit3A_8, %sign3A_18 : i32
    %sign3A_20 = arith.extui %sign3A_19 : i1 to i32
    %sign3A_21 = arith.subi %sign3A_17, %sign3A_20 : i32
    %ne3A_22 = arith.cmpi ne, %sign3A_14, %sign3A_21 : i32
    %rem3A_23 = arith.remsi %arg1, %jit3A_8 : i32
    %ne3A_24 = arith.constant 0 : i32
    %ne3A_25 = arith.cmpi ne, %rem3A_23, %ne3A_24 : i32
    %and3A_26 = arith.andi %ne3A_22, %ne3A_25 : i1
    %sub3A = arith.constant 1 : i32
    %sub3A_27 = arith.subi %div3A, %sub3A : i32
    %select_n3A_28 = arith.select %and3A_26, %sub3A_27, %div3A : i32
    %mul3A = arith.constant 2 : i32
    %mul3A_29 = arith.muli %select_n3A_28, %mul3A : i32
    %add3A_30 = arith.addi %mul3A_29, %arg0 : i32
    %mul3A_31 = arith.constant 16 : i32
    %mul3A_32 = arith.muli %select_n3A_7, %mul3A_31 : i32
    %mul3A_33 = arith.constant 2500 : i32
    %mul3A_34 = arith.muli %add3A_30, %mul3A_33 : i32
    %jit3A_35 = arith.constant 2 : i32
    %div3A_36 = arith.divsi %add3A_30, %jit3A_35 : i32
    %sign3A_37 = arith.constant 0 : i32
    %sign3A_38 = arith.cmpi sgt, %add3A_30, %sign3A_37 : i32
    %sign3A_39 = arith.extui %sign3A_38 : i1 to i32
    %sign3A_40 = arith.constant 0 : i32
    %sign3A_41 = arith.cmpi slt, %add3A_30, %sign3A_40 : i32
    %sign3A_42 = arith.extui %sign3A_41 : i1 to i32
    %sign3A_43 = arith.subi %sign3A_39, %sign3A_42 : i32
    %sign3A_44 = arith.constant 0 : i32
    %sign3A_45 = arith.cmpi sgt, %jit3A_35, %sign3A_44 : i32
    %sign3A_46 = arith.extui %sign3A_45 : i1 to i32
    %sign3A_47 = arith.constant 0 : i32
    %sign3A_48 = arith.cmpi slt, %jit3A_35, %sign3A_47 : i32
    %sign3A_49 = arith.extui %sign3A_48 : i1 to i32
    %sign3A_50 = arith.subi %sign3A_46, %sign3A_49 : i32
    %ne3A_51 = arith.cmpi ne, %sign3A_43, %sign3A_50 : i32
    %rem3A_52 = arith.remsi %add3A_30, %jit3A_35 : i32
    %ne3A_53 = arith.constant 0 : i32
    %ne3A_54 = arith.cmpi ne, %rem3A_52, %ne3A_53 : i32
    %and3A_55 = arith.andi %ne3A_51, %ne3A_54 : i1
    %sub3A_56 = arith.constant 1 : i32
    %sub3A_57 = arith.subi %div3A_36, %sub3A_56 : i32
    %select_n3A_58 = arith.select %and3A_55, %sub3A_57, %div3A_36 : i32
    %jit3A_59 = arith.constant 2 : i32
    %eq3A_60 = arith.constant 0 : i32
    %eq3A_61 = arith.cmpi eq, %jit3A_59, %eq3A_60 : i32
    %jit3A_62 = arith.constant 1 : i32
    %select_n3A_63 = arith.select %eq3A_61, %jit3A_62, %jit3A_59 : i32
    %rem3A_64 = arith.remsi %add3A_30, %select_n3A_63 : i32
    %ne3A_65 = arith.constant 0 : i32
    %ne3A_66 = arith.cmpi ne, %rem3A_64, %ne3A_65 : i32
    %lt3A_67 = arith.constant 0 : i32
    %lt3A_68 = arith.cmpi slt, %rem3A_64, %lt3A_67 : i32
    %lt3A_69 = arith.constant 0 : i32
    %lt3A_70 = arith.cmpi slt, %select_n3A_63, %lt3A_69 : i32
    %ne3A_71 = arith.xori %lt3A_68, %lt3A_70 : i1
    %and3A_72 = arith.andi %ne3A_71, %ne3A_66 : i1
    %add3A_73 = arith.addi %rem3A_64, %select_n3A_63 : i32
    %select_n3A_74 = arith.select %and3A_72, %add3A_73, %rem3A_64 : i32
    %mul3A_75 = arith.constant 40000 : i32
    %mul3A_76 = arith.muli %select_n3A_74, %mul3A_75 : i32
    %scan3A = arith.constant 0 : i32
    %scan3A_77 = arith.constant 0 : i32
    %scan3A_78 = arith.constant 4 : i32
    %scan3A_79 = arith.addi %scan3A_77, %scan3A_78 : i32
    %scan3A_80 = arith.constant 1 : i32
    scf.for %scan3A_82 = %scan3A_77 to %scan3A_79 step %scan3A_80  : i32 {
      %mul3A_83 = arith.constant 625 : i32
      %mul3A_84 = arith.muli %scan3A_82, %mul3A_83 : i32
      %add3A_85 = arith.addi %mul3A_34, %mul3A_84 : i32
      %mul3A_86 = arith.constant 10000 : i32
      %mul3A_87 = arith.muli %scan3A_82, %mul3A_86 : i32
      %add3A_88 = arith.addi %mul3A_76, %mul3A_87 : i32
      %dma_start3A = tpu.memref_slice %arg2[%add3A_85, %mul3A_32] : memref<10000x128xf32, #tpu.memory_space<hbm>> -> memref<625x16xf32, #tpu.memory_space<hbm>>
      %dma_start3A_89 = tpu.memref_slice %arg2[%add3A_85, %mul3A_32] : memref<10000x128xf32, #tpu.memory_space<hbm>> -> memref<625x16xf32, #tpu.memory_space<hbm>>
      tpu.enqueue_dma source(%dma_start3A_89 : memref<625x16xf32, #tpu.memory_space<hbm>>) target(%arg6 : memref<625x16xf32, #tpu.memory_space<vmem>>) target_semaphore(%arg11 : memref<!tpu.dma_semaphore, #tpu.memory_space<semaphore_mem>>)
      %dma_start3A_90 = tpu.memref_slice %arg3[%add3A_85, %mul3A_32] : memref<10000x128xf32, #tpu.memory_space<hbm>> -> memref<625x16xf32, #tpu.memory_space<hbm>>
      %dma_start3A_91 = tpu.memref_slice %arg3[%add3A_85, %mul3A_32] : memref<10000x128xf32, #tpu.memory_space<hbm>> -> memref<625x16xf32, #tpu.memory_space<hbm>>
      tpu.enqueue_dma source(%dma_start3A_91 : memref<625x16xf32, #tpu.memory_space<hbm>>) target(%arg7 : memref<625x16xf32, #tpu.memory_space<vmem>>) target_semaphore(%arg11 : memref<!tpu.dma_semaphore, #tpu.memory_space<semaphore_mem>>)
      %dma_start3A_92 = arith.constant 0 : i32
      %dma_start3A_93 = tpu.memref_slice %arg4[%dma_start3A_92, %select_n3A_58, %select_n3A_7, %add3A_88] : memref<2x2x8x80000xf32, #tpu.memory_space<hbm>> -> memref<1x1x1x10000xf32, #tpu.memory_space<hbm>>
      %dma_start3A_94 = tpu.memref_squeeze %dma_start3A_93 : memref<1x1x1x10000xf32, #tpu.memory_space<hbm>> -> memref<10000xf32, #tpu.memory_space<hbm>>
      %dma_start3A_95 = tpu.memref_slice %arg4[%dma_start3A_92, %select_n3A_58, %select_n3A_7, %add3A_88] : memref<2x2x8x80000xf32, #tpu.memory_space<hbm>> -> memref<1x1x1x10000xf32, #tpu.memory_space<hbm>>
      %dma_start3A_96 = tpu.memref_squeeze %dma_start3A_95 : memref<1x1x1x10000xf32, #tpu.memory_space<hbm>> -> memref<10000xf32, #tpu.memory_space<hbm>>
      tpu.enqueue_dma source(%dma_start3A_96 : memref<10000xf32, #tpu.memory_space<hbm>>) target(%arg8 : memref<10000xf32, #tpu.memory_space<vmem>>) target_semaphore(%arg11 : memref<!tpu.dma_semaphore, #tpu.memory_space<semaphore_mem>>)
      %dma_start3A_97 = arith.constant 1 : i32
      %dma_start3A_98 = tpu.memref_slice %arg4[%dma_start3A_97, %select_n3A_58, %select_n3A_7, %add3A_88] : memref<2x2x8x80000xf32, #tpu.memory_space<hbm>> -> memref<1x1x1x10000xf32, #tpu.memory_space<hbm>>
      %dma_start3A_99 = tpu.memref_squeeze %dma_start3A_98 : memref<1x1x1x10000xf32, #tpu.memory_space<hbm>> -> memref<10000xf32, #tpu.memory_space<hbm>>
      %dma_start3A_100 = tpu.memref_slice %arg4[%dma_start3A_97, %select_n3A_58, %select_n3A_7, %add3A_88] : memref<2x2x8x80000xf32, #tpu.memory_space<hbm>> -> memref<1x1x1x10000xf32, #tpu.memory_space<hbm>>
      %dma_start3A_101 = tpu.memref_squeeze %dma_start3A_100 : memref<1x1x1x10000xf32, #tpu.memory_space<hbm>> -> memref<10000xf32, #tpu.memory_space<hbm>>
      tpu.enqueue_dma source(%dma_start3A_101 : memref<10000xf32, #tpu.memory_space<hbm>>) target(%arg9 : memref<10000xf32, #tpu.memory_space<vmem>>) target_semaphore(%arg11 : memref<!tpu.dma_semaphore, #tpu.memory_space<semaphore_mem>>)
      %dma_wait3A = tpu.memref_slice %arg2[%add3A_85, %mul3A_32] : memref<10000x128xf32, #tpu.memory_space<hbm>> -> memref<625x16xf32, #tpu.memory_space<hbm>>
      %dma_wait3A_102 = tpu.memref_slice %arg2[%add3A_85, %mul3A_32] : memref<10000x128xf32, #tpu.memory_space<hbm>> -> memref<625x16xf32, #tpu.memory_space<hbm>>
      tpu.wait_dma2 semaphore(%arg11 : memref<!tpu.dma_semaphore, #tpu.memory_space<semaphore_mem>>) src(%dma_wait3A_102 : memref<625x16xf32, #tpu.memory_space<hbm>>) dst(%arg6 : memref<625x16xf32, #tpu.memory_space<vmem>>)
      %dma_wait3A_103 = tpu.memref_slice %arg3[%add3A_85, %mul3A_32] : memref<10000x128xf32, #tpu.memory_space<hbm>> -> memref<625x16xf32, #tpu.memory_space<hbm>>
      %dma_wait3A_104 = tpu.memref_slice %arg3[%add3A_85, %mul3A_32] : memref<10000x128xf32, #tpu.memory_space<hbm>> -> memref<625x16xf32, #tpu.memory_space<hbm>>
      tpu.wait_dma2 semaphore(%arg11 : memref<!tpu.dma_semaphore, #tpu.memory_space<semaphore_mem>>) src(%dma_wait3A_104 : memref<625x16xf32, #tpu.memory_space<hbm>>) dst(%arg7 : memref<625x16xf32, #tpu.memory_space<vmem>>)
      %dma_wait3A_105 = arith.constant 0 : i32
      %dma_wait3A_106 = tpu.memref_slice %arg4[%dma_wait3A_105, %select_n3A_58, %select_n3A_7, %add3A_88] : memref<2x2x8x80000xf32, #tpu.memory_space<hbm>> -> memref<1x1x1x10000xf32, #tpu.memory_space<hbm>>
      %dma_wait3A_107 = tpu.memref_squeeze %dma_wait3A_106 : memref<1x1x1x10000xf32, #tpu.memory_space<hbm>> -> memref<10000xf32, #tpu.memory_space<hbm>>
      %dma_wait3A_108 = tpu.memref_slice %arg4[%dma_wait3A_105, %select_n3A_58, %select_n3A_7, %add3A_88] : memref<2x2x8x80000xf32, #tpu.memory_space<hbm>> -> memref<1x1x1x10000xf32, #tpu.memory_space<hbm>>
      %dma_wait3A_109 = tpu.memref_squeeze %dma_wait3A_108 : memref<1x1x1x10000xf32, #tpu.memory_space<hbm>> -> memref<10000xf32, #tpu.memory_space<hbm>>
      tpu.wait_dma2 semaphore(%arg11 : memref<!tpu.dma_semaphore, #tpu.memory_space<semaphore_mem>>) src(%dma_wait3A_109 : memref<10000xf32, #tpu.memory_space<hbm>>) dst(%arg8 : memref<10000xf32, #tpu.memory_space<vmem>>)
      %dma_wait3A_110 = arith.constant 1 : i32
      %dma_wait3A_111 = tpu.memref_slice %arg4[%dma_wait3A_110, %select_n3A_58, %select_n3A_7, %add3A_88] : memref<2x2x8x80000xf32, #tpu.memory_space<hbm>> -> memref<1x1x1x10000xf32, #tpu.memory_space<hbm>>
      %dma_wait3A_112 = tpu.memref_squeeze %dma_wait3A_111 : memref<1x1x1x10000xf32, #tpu.memory_space<hbm>> -> memref<10000xf32, #tpu.memory_space<hbm>>
      %dma_wait3A_113 = tpu.memref_slice %arg4[%dma_wait3A_110, %select_n3A_58, %select_n3A_7, %add3A_88] : memref<2x2x8x80000xf32, #tpu.memory_space<hbm>> -> memref<1x1x1x10000xf32, #tpu.memory_space<hbm>>
      %dma_wait3A_114 = tpu.memref_squeeze %dma_wait3A_113 : memref<1x1x1x10000xf32, #tpu.memory_space<hbm>> -> memref<10000xf32, #tpu.memory_space<hbm>>
      tpu.wait_dma2 semaphore(%arg11 : memref<!tpu.dma_semaphore, #tpu.memory_space<semaphore_mem>>) src(%dma_wait3A_114 : memref<10000xf32, #tpu.memory_space<hbm>>) dst(%arg9 : memref<10000xf32, #tpu.memory_space<vmem>>)
      %scan3A_115 = arith.constant 0 : i32
      %scan3A_116 = arith.constant 0 : i32
      %scan3A_117 = arith.constant 625 : i32
      %scan3A_118 = arith.addi %scan3A_116, %scan3A_117 : i32
      %scan3A_119 = arith.constant 1 : i32
      scf.for %scan3A_121 = %scan3A_116 to %scan3A_118 step %scan3A_119  : i32 {
        %get3A = arith.index_cast %scan3A_121 : i32 to index
        %get3A_122 = arith.constant 0 : index
        %get3A_123 = tpu.vector_load %arg7[%get3A, %get3A_122] {strides = array<i32>} : memref<625x16xf32, #tpu.memory_space<vmem>>, vector<16xf32>,
        %mul3A_124 = arith.constant 16 : i32
        %mul3A_125 = arith.muli %scan3A_121, %mul3A_124 : i32
        %get3A_126 = arith.index_cast %mul3A_125 : i32 to index
        %get3A_127 = tpu.vector_load %arg8[%get3A_126] {strides = array<i32>} : memref<10000xf32, #tpu.memory_space<vmem>>, vector<16xf32>,
        %add3A_128 = arith.addf %get3A_123, %get3A_127 : vector<16xf32>
        %mul3A_129 = arith.constant 16 : i32
        %mul3A_130 = arith.muli %scan3A_121, %mul3A_129 : i32
        %get3A_131 = arith.index_cast %mul3A_130 : i32 to index
        %get3A_132 = tpu.vector_load %arg9[%get3A_131] {strides = array<i32>} : memref<10000xf32, #tpu.memory_space<vmem>>, vector<16xf32>,
        %add3A_133 = arith.addf %add3A_128, %get3A_132 : vector<16xf32>
        %get3A_134 = arith.index_cast %scan3A_121 : i32 to index
        %get3A_135 = arith.constant 0 : index
        %get3A_136 = tpu.vector_load %arg6[%get3A_134, %get3A_135] {strides = array<i32>} : memref<625x16xf32, #tpu.memory_space<vmem>>, vector<16xf32>,
        %div3A_137 = arith.divf %get3A_136, %add3A_133 : vector<16xf32>
        %swap3A = arith.index_cast %scan3A_121 : i32 to index
        %swap3A_138 = arith.constant 0 : index
        %swap3A_139 = tpu.vector_load %arg10[%swap3A, %swap3A_138] {strides = array<i32>} : memref<625x16xf32, #tpu.memory_space<vmem>>, vector<16xf32>,
        tpu.vector_store %arg10[%swap3A, %swap3A_138], %div3A_137 {strides = array<i32>} : memref<625x16xf32, #tpu.memory_space<vmem>>, vector<16xf32>,
      }
      %scan3A_120 = arith.constant 625 : i32
      "tpu.region"() ({
        %run_scoped3A = tpu.sem_alloc : memref<!tpu.dma_semaphore, #tpu.memory_space<semaphore_mem>>
        %dma_start3A_121 = tpu.memref_slice %arg5[%add3A_85, %mul3A_32] : memref<10000x128xf32, #tpu.memory_space<hbm>> -> memref<625x16xf32, #tpu.memory_space<hbm>>
        %dma_start3A_122 = tpu.memref_slice %arg5[%add3A_85, %mul3A_32] : memref<10000x128xf32, #tpu.memory_space<hbm>> -> memref<625x16xf32, #tpu.memory_space<hbm>>
        tpu.enqueue_dma source(%arg10 : memref<625x16xf32, #tpu.memory_space<vmem>>) target(%dma_start3A_122 : memref<625x16xf32, #tpu.memory_space<hbm>>) target_semaphore(%run_scoped3A : memref<!tpu.dma_semaphore, #tpu.memory_space<semaphore_mem>>)
        %dma_wait3A_123 = tpu.memref_slice %arg5[%add3A_85, %mul3A_32] : memref<10000x128xf32, #tpu.memory_space<hbm>> -> memref<625x16xf32, #tpu.memory_space<hbm>>
        %dma_wait3A_124 = tpu.memref_slice %arg5[%add3A_85, %mul3A_32] : memref<10000x128xf32, #tpu.memory_space<hbm>> -> memref<625x16xf32, #tpu.memory_space<hbm>>
        tpu.wait_dma2 semaphore(%run_scoped3A : memref<!tpu.dma_semaphore, #tpu.memory_space<semaphore_mem>>) src(%arg10 : memref<625x16xf32, #tpu.memory_space<vmem>>) dst(%dma_wait3A_124 : memref<625x16xf32, #tpu.memory_space<hbm>>)
        tpu.yield
      }) : () -> ()
    }
    %scan3A_81 = arith.constant 4 : i32
    return
  }
}

</mosaic_0001>

<sc_bundles>
// kernel: _run.4.cloned.1.call-start
scs
__scs_entry_jumppad:
0x0: {  	(pc) =	sbr.rel $0x88, $3  }
0x1: {  	(tag) =	ssettag $0x0;
	lr =	simm.s32 $0x1  }
0x2: {  	[smem:$0x3F9D] =	sst lr;
	_ =	strace $0xD0000000  }
0x3: {  	_ = 	snop  }
0x4: {  	_ = 	snop  }
0x5: {  	_ = 	snop  }
0x6: {  	_ = 	snop  }
0x7: {  	_ = 	snop  }
__scs_overlays_trampoline_lowered:
0x8: {  	[smem:$0x3FAC] =	sst s0  }
0x9: {  	[smem:$0x3FAD] =	sst s1  }
0xa: {  	[smem:$0x3FAE] =	sst s2  }
0xb: {  	[smem:$0x3FAF] =	sst s3  }
0xc: {  	[smem:$0x3FB0] =	sst s4  }
0xd: {  	[smem:$0x3FB1] =	sst s5  }
0xe: {  	[smem:$0x3FB2] =	sst s6  }
0xf: {  	[smem:$0x3FB3] =	sst s7  }
0x10: {  	[smem:$0x3FB4] =	sst s8  }
0x11: {  	[smem:$0x3FB5] =	sst s9;
	s0 =	simm.s32 @!p0 $0x0  }
0x12: {  	s1 =	sld [smem:$0x3F9B];
	s0 =	simm.s32 @p0 $0x1  }
0x13: {  	[smem:$0x3FB6] =	sst s0;
	s0 =	simm.s32 @!p1 $0x0  }
0x14: {  	s2 =	sld [smem:$0x3F9A];
	s0 =	simm.s32 @p1 $0x1  }
0x15: {  	[smem:$0x3FB7] =	sst s0;
	s0 =	simm.s32 @!p2 $0x0  }
0x16: {  	s3 =	sld [smem:$0x3FDB];
	s0 =	simm.s32 @p2 $0x1  }
0x17: {  	s4 =	simm.s32 $0x1BF5;
	[smem:$0x3FB9] =	sst s0  }
0x18: {  	s0 =	sld [smem:$0x3F9C];
	_ =	swait.ge [sflag:s4], $0x0  }
0x19: {  	s7 =	sld [smem:$0x3F9D]  }
0x1a: {  	s8 =	sadd.s32 $0xFFFFE003, lr  }
0x1b: {  	s9 =	sadd.s32 $0xFFFFFEF7, lr;
	s5 =	simm.s32 $0xFFFFFFFF;
	p2 =	slt.u32 s8, $0xFFFFF086  }
0x1c: {  	p1 =	slt.u32 s9, $0xF7A;
	s5 =	simm.s32 @!p2 $0x0  }
0x1d: {  	s5 =	simm.s32 @p1 $0x1;
	p0 =	seq.s32 s7, s2  }
0x1e: {  	s7 =	smul.u32 @!p0 $0xF7A, s2;
	p2 =	seq.s32 @!p0 s5, $0x0  }
0x1f: {  	s9 =	smul.u32 $0xF7A, s1;
	s8 =	simm.s32 @!p0 $0x1BF5;
	p2 =	por !p2, p0  }
0x20: {  	[sflag:s8] =	ssyncset.s32 @!p0 $0xFFFFF086;
	s6 =	sadd.s32 @!p0 s3, s7;
	s7 =	simm.s32 @!p0 $0x108  }
0x21: {  	s3 =	sadd.s32 s3, s9;
	s6 =	sadd.s32 @!p0 $0x88, s6;
	s7 =	simm.s32 @p2 $0x1082  }
0x22: {  	[simem:s7], [sflag:s8] =	dma.local @!p0 [hbm:s6], $0xF7A  }
0x23: {  	s9 =	sor.u32 $0xD0000000, s2;
	s6 =	simm.s32 $0x108;
	_ =	swait.ge @!p0 [sflag:s8], $0x0  }
0x24: {  	s3 =	sadd.s32 $0x88, s3;
	s6 =	simm.s32 @!p1 $0x1082;
	[sflag:s4] =	ssyncset.s32 $0xFFFFF086  }
0x25: {  	[simem:s6], [sflag:s4] =	dma.local [hbm:s3], $0xF7A  }
0x26: {  	[smem:$0x3F9D] =	sst s1;
	(tag) =	ssettag s2;
	_ =	strace s9  }
0x27: {  	s1 =	sld [smem:$0x3FAD]  }
0x28: {  	s2 =	sld [smem:$0x3FAE]  }
0x29: {  	s4 =	sld [smem:$0x3FB0]  }
0x2a: {  	p0 =	seq.s32 s5, $0x0;
	s5 =	sld [smem:$0x3FB1]  }
0x2b: {  	s6 =	sld [smem:$0x3FB2]  }
0x2c: {  	s7 =	sld [smem:$0x3FB3]  }
0x2d: {  	s3 =	simm.s32 $0x108;
	s8 =	sld [smem:$0x3FB4]  }
0x2e: {  	s3 =	simm.s32 @!p0 $0x1082;
	s9 =	sld [smem:$0x3FB5]  }
0x2f: {  	lr =	sadd.s32 s0, s3;
	s0 =	sld [smem:$0x3FAC]  }
0x30: {  	s3 =	sld [smem:$0x3FAF]  }
0x31: {  	[smem:$0x3FB8] =	sst s10  }
0x32: {  	s10 =	sld [smem:$0x3FB6];
	_ =	sdelay $0x3  }
0x33: {  	p0 =	seq.s32 s10, $0x1;
	s10 =	sld [smem:$0x3FB8];
	_ =	sdelay $0x3  }
0x34: {  	[smem:$0x3FB8] =	sst s10  }
0x35: {  	s10 =	sld [smem:$0x3FB7];
	_ =	sdelay $0x3  }
0x36: {  	p1 =	seq.s32 s10, $0x1;
	s10 =	sld [smem:$0x3FB8];
	_ =	sdelay $0x3  }
0x37: {  	[smem:$0x3FB8] =	sst s10  }
0x38: {  	s10 =	sld [smem:$0x3FB9]  }
0x39: {  	_ = 	snop;
	(pc) =	sbr.ind lr, $3  }
0x3a: {  	_ = 	snop  }
0x3b: {  	_ = 	snop  }
0x3c: {  	p2 =	seq.s32 s10, $0x1;
	s10 =	sld [smem:$0x3FB8]  }
0x3d: {  	_ =	shalt  }
0x3e: {  	_ =	shalt  }
0x3f: {  	_ =	shalt  }
0x40: {  	_ =	shalt  }
0x41: {  	_ =	shalt  }
0x42: {  	_ =	shalt  }
0x43: {  	_ =	shalt  }
0x44: {  	_ =	shalt  }
0x45: {  	_ =	shalt  }
0x46: {  	_ =	shalt  }
0x47: {  	_ =	shalt  }
0x48: {  	_ =	shalt  }
0x49: {  	_ =	shalt  }
0x4a: {  	_ =	shalt  }
0x4b: {  	_ =	shalt  }
0x4c: {  	_ =	shalt  }
0x4d: {  	_ =	shalt  }
0x4e: {  	_ =	shalt  }
0x4f: {  	_ =	shalt  }
0x50: {  	_ =	shalt  }
0x51: {  	_ =	shalt  }
0x52: {  	_ =	shalt  }
0x53: {  	_ =	shalt  }
0x54: {  	_ =	shalt  }
0x55: {  	_ =	shalt  }
0x56: {  	_ =	shalt  }
0x57: {  	_ =	shalt  }
0x58: {  	_ =	shalt  }
0x59: {  	_ =	shalt  }
0x5a: {  	_ =	shalt  }
0x5b: {  	_ =	shalt  }
0x5c: {  	_ =	shalt  }
0x5d: {  	_ =	shalt  }
0x5e: {  	_ =	shalt  }
0x5f: {  	_ =	shalt  }
0x60: {  	_ =	shalt  }
0x61: {  	_ =	shalt  }
0x62: {  	_ =	shalt  }
0x63: {  	_ =	shalt  }
0x64: {  	_ =	shalt  }
0x65: {  	_ =	shalt  }
0x66: {  	_ =	shalt  }
0x67: {  	_ =	shalt  }
0x68: {  	_ =	shalt  }
0x69: {  	_ =	shalt  }
0x6a: {  	_ =	shalt  }
0x6b: {  	_ =	shalt  }
0x6c: {  	_ =	shalt  }
0x6d: {  	_ =	shalt  }
0x6e: {  	_ =	shalt  }
0x6f: {  	_ =	shalt  }
0x70: {  	_ =	shalt  }
0x71: {  	_ =	shalt  }
0x72: {  	_ =	shalt  }
0x73: {  	_ =	shalt  }
0x74: {  	_ =	shalt  }
0x75: {  	_ =	shalt  }
0x76: {  	_ =	shalt  }
0x77: {  	_ =	shalt  }
0x78: {  	_ =	shalt  }
0x79: {  	_ =	shalt  }
0x7a: {  	_ =	shalt  }
0x7b: {  	_ =	shalt  }
0x7c: {  	_ =	shalt  }
0x7d: {  	_ =	shalt  }
0x7e: {  	_ =	shalt  }
0x7f: {  	_ =	shalt  }
0x80: {  	_ =	shalt  }
0x81: {  	_ =	shalt  }
0x82: {  	_ =	shalt  }
0x83: {  	_ =	shalt  }
0x84: {  	_ =	shalt  }
0x85: {  	_ =	shalt  }
0x86: {  	_ =	shalt  }
0x87: {  	_ =	shalt  }
.Lfunc_end0:
.L_simem_size_0:
called_computation_lowered:
.L_overlay_start_0:
0x88: {  	s2 =	sld [smem:$0x3FD9]  }
0x89: {  	s3 =	sld [smem:$0x3FFE];
	_ =	sdelay $0x1  }
0x8a: {  	s1 =	srdreg.scid  }
0x8b: {  	s0 =	sand.u32 $0x1, s1  }
0x8c: {  	s17 =	sshll.u32 s0, $0xA;
	s2 =	sadd.s32 s3, s2  }
0x8d: {  	s2 =	sadd.s32 s2, s17  }
0x8e: {  	[smem:$0x3FC4] =	sst s2  }
0x8f: {  	_ = 	snop  }
0x90: {  	s2 =	sld [smem:$0x3FC9]  }
0x91: {  	s18 =	sld [smem:$0x3FC6];
	(tm) =	ssettm $0x1  }
0x92: {  	s4 =	sld [smem:$0x3FFB];
	_ =	sdelay $0x3  }
0x93: {  	_ =	strace s4  }
0x94: {  	s4 =	sld [smem:$0x3FFC];
	_ =	sdelay $0x3  }
0x95: {  	_ =	strace s4  }
0x96: {  	s4 =	sld [smem:$0x3FFD];
	_ =	sdelay $0x3  }
0x97: {  	_ =	strace s4  }
0x98: {  	_ =	strace $0x8FFFFFFF  }
0x99: {  	s19 =	sld [smem:$0x3FDB];
	_ =	sdelay $0x1  }
0x9a: {  	s5 =	simm.s32 $_scs_section_size  }
0x9b: {  	s6 =	simm.s32 $_size__tile_overlayer_lowered;
	s7 =	simm.s32 $_tile_overlayer_lowered  }
0x9c: {  	s22 =	simm.s32 $0x1BFF;
	s21 =	sshll.u32 s7, $0x1;
	s4 =	sadd.s32 s5, s19  }
0x9d: {  	s8 =	simm.s32 $0x0;
	s20 =	sshll.u32 s6, $0x1;
	s6 =	sadd.s32 s21, s4  }
0x9e: {  	[timem:s8], [sflag:s22] =	dma.local [hbm:s6], s20  }
0x9f: {  	_ =	swait.ge [sflag:s22], s20  }
0xa0: {  	s5 =	ssub.s32 $0x0, s20;
	[sflag:s22] =	ssyncset.done $0x0  }
0xa1: {  	[sflag:s22] =	ssyncadd.s32 s5;
	_ =	sdelay $0x1  }
0xa2: {  	s23 =	simm.s32 $0x1B8B  }
0xa3: {  	_ =	swait.ge [sflag:s23], $0x1  }
0xa4: {  	[sflag:s23] =	ssyncset.done $0x0  }
0xa5: {  	s25 =	simm.s32 $0x1B8E;
	s24 =	sld [smem:$0x3FFE];
	[sflag:s23] =	ssyncadd.s32 $0xFFFFFFFF  }
0xa6: {  	s26 =	simm.s32 $execute0_lowered;
	[smem:$0x3FD2] =	sst s25  }
0xa7: {  	s6 =	sshll.u32 s26, $0x1;
	_ =	strace $0x80000046;
	[dreg:$0x1] =	wrdreg $0xFFFFFFFF  }
0xa8: {  	s28 =	simm.s32 $_size_execute0_lowered;
	s4 =	sadd.s32 s4, s6;
	[dreg:$0x0] =	wrdreg $0x0  }
0xa9: {  	s6 =	sshll.u32 s28, $0x1;
	[dreg:$0x2] =	wrdreg s4  }
0xaa: {  	[dreg:$0x3] =	wrdreg s6  }
0xab: {  	[dreg:$0x4] =	wrdreg $0xC0  }
0xac: {  	_ =	task [dreg:s8], $0x5FFFF  }
0xad: {  	[dreg:$0x1] =	wrdreg $0xFFFFFFFF  }
0xae: {  	[dreg:$0x0] =	wrdreg $0x60  }
0xaf: {  	[dreg:$0x2] =	wrdreg s2  }
0xb0: {  	[dreg:$0x3] =	wrdreg s18  }
0xb1: {  	[dreg:$0x4] =	wrdreg s24  }
0xb2: {  	[dreg:$0x5] =	wrdreg $0x1B5800  }
0xb3: {  	[dreg:$0x6] =	wrdreg $0x1D4C00  }
0xb4: {  	[dreg:$0x7] =	wrdreg $0x1C5200  }
0xb5: {  	[dreg:$0x8] =	wrdreg $0x1E4600  }
0xb6: {  	[dreg:$0x9] =	wrdreg $0x9  }
0xb7: {  	_ =	task.clear_ibuf [dreg:s8], $0xAFFFF;
	_ =	strace $0x90000046  }
0xb8: {  	s29 =	simm.s32 $0x9;
	_ =	strace $0x80000048  }
0xb9: {  	_ =	swait.ge [sflag:s29], $0x1  }
0xba: {  	[sflag:s29] =	ssyncadd.s32 $0xFFFFFFFF  }
0xbb: {  	_ =	strace $0x90000048  }
0xbc: {  	_ =	sfence  }
0xbd: {  	s30 =	sld [smem:$0x0];
	_ =	sdelay $0x2  }
0xbe: {  	s31 =	sshll.u32 s1, $0xD;
	s1 =	sshrl.u32 s1, $0x2  }
0xbf: {  	s3 =	sand.u32 $0x4000, s31;
	s1 =	sadd.s32 s1, s30  }
0xc0: {  	s0 =	sor.u32 s3, s0;
	s1 =	sshll.u32 s1, $0x11  }
0xc1: {  	s0 =	sor.u32 s1, s0  }
0xc2: {  	s0 =	sadd.s32 $0x8F2B, s0  }
0xc3: {  	[sflag:s0] =	ssyncadd.remote.s32 $0x1  }
0xc4: {  	_ =	sfence.sel $0xFFFF  }
0xc5: {  	[dreg:$0x0] =	wrdreg $0xFFFFFFFF;
	(pc) =	sbr.abs _section_cstart, $3  }
0xc6: {  	[dreg:$0x1] =	wrdreg $0xFFFFFFFF  }
0xc7: {  	_ =	task.clear_ibuf [dreg:s8], $0x2FFFF;
	_ =	strace $0x9FFFFFFF  }
0xc8: {  	(tm) =	ssettm $0x7FFFFFFF  }
0xc9: {  	_ =	shalt  }
tec
execute0_lowered:
.L_overlay_start_1:
0x0: {  	(tag) =	ssettag $0x1  }
0x1: {  	s0 =	rddreg [dreg:$0x0]  }
0x2: {  	s1 =	rddreg [dreg:$0x1]  }
0x3: {  	s5 =	rddreg [dreg:$0x2]  }
0x4: {  	s2 =	rddreg [dreg:$0x3]  }
0x5: {  	s4 =	srdreg.scid;
	s3 =	rddreg [dreg:$0x4]  }
0x6: {  	s8 =	stileid.u32;
	s6 =	rddreg [dreg:$0x6]  }
0x7: {  	s7 =	simm.s32 $0x0;
	s28 =	simm.s32 $0x5DC0;
	s9 =	sand.u32 $0x1, s4  }
0x8: {  	s29 =	simm.s32 $0x7D00;
	s10 =	sshrl.u32 s8, $0x3;
	s11 =	smul.u32 $0x138800, s9  }
0x9: {  	s30 =	simm.s32 $0x4;
	s12 =	sand.u32 $0x7, s8;
	s13 =	smul.u32 $0x9C400, s10  }
0xa: {  	s31 =	simm.s32 $0x1C02;
	s4 =	rddreg [dreg:$0x5];
	s14 =	smul.u32 $0x13880, s12  }
0xb: {  	[smem:$0x7FF] =	sst s7;
	p0 =	sne.s32 s8, $0x0;
	s17 =	smul.u32 $0x27100, s9  }
0xc: {  	p1 =	seq.s32 s8, $0x0;
	_ =	strace $0x80000047;
	s20 =	smul.u32 $0x1388000, s9  }
0xd: {  	s19 =	ssub.s32 $0x2, s9;
	s9 =	smul.u32 $0x271000, s9;
	s25 =	sshll.u32 s12, $0x4  }
0xe: {  	s10 =	smul.u32 $0xFFFEC780, s10;
	s21 =	sshrl.u32 s19, $0x1;
	s12 =	sadd.s32 s25, s2  }
0xf: {  	s15 =	sadd.s32 s25, s4;
	s16 =	sadd.s32 s25, s6;
	s11 =	sadd.s32 s11, s13  }
0x10: {  	v0 =	vlaneseq.u32;
	s22 =	sshrl.u32 s20, $0x3;
	s23 =	sadd.s32 s0, s9;
	s9 =	sadd.s32 s1, s9  }
0x11: {  	s20 =	simm.s32 $0x10;
	v0 =	vor.u32 s10, v0;
	s10 =	simm.s32 $0x0;
	[dreg:$0x8] =	wrdreg s23  }
0x12: {  	s11 =	sadd.s32 s14, s11;
	[dreg:$0x9] =	wrdreg s9;
	s24 =	sadd.s32 $0x1F40, s22  }
0x13: {  	s14 =	sadd.s32 $0x3E8, s17;
	s17 =	sadd.s32 $0x5DC, s17;
	s22 =	simm.s32 $0x3E80  }
0x14: {  	s23 =	simm.s32 $0x3;
	s11 =	sshrl.u32 s11, $0x3;
	s13 =	sadd.s32 s0, s24  }
0x15: {  	s9 =	sadd.s32 s1, s24;
	s24 =	simm.s32 $0x1C01;
	[dreg:$0xa] =	wrdreg s13  }
0x16: {  	s5 =	sadd.s32 s11, s5;
	s11 =	ssub.s32 s19, s21;
	[dreg:$0xb] =	wrdreg s9  }
0x17: {  	s13 =	sadd.s32 s25, s3;
	s21 =	simm.s32 $0x80;
	s5 =	sadd.s32 $0x800, s5  }
0x18: {  	s25 =	simm.s32 $0x2;
	s26 =	smax.u32 s11, $0x1;
	[dreg:$0xc] =	wrdreg s5  }
0x19: {  	v1 =	vimm.f32 $0.0e+00;
	[dreg:$0xd] =	wrdreg s26;
	s26 =	simm.s32 $0x1F40;
	s5 =	simm.s32 $0x1  }
.LBB2_1:
0x1a: {  	[dreg:$0xe] =	wrdreg s10;
	s8 =	simm.s32 $0x40;
	s9 =	simm.s32 $0x0  }
.LBB2_2:
0x1b: {  	p2 =	sne.s32 s8, $0x4E1C0;
	[tilespmem:s9+$0x7D00] =	vst v1;
	s9 =	smov.u32 s8;
	s8 =	sadd.s32 $0x40, s8  }
.Ltmp0:
0x1c: {  	(pc) =	sbr.rel @p2 .LBB2_2-.Ltmp0, $2  }
0x1d: {  	_ =	sdelay $0x2  }
0x1e: {  	s9 =	sshra.s32 s9, $0x2  }
0x1f: {  	[tilespmem:s9+$0x7D00] =	vst v1;
	s8 =	sshrl.u32 @!p0 s2, $0x3;
	s9 =	simm.s32 @!p0 $0x1C01;
	s10 =	rddreg [dreg:$0x8]  }
0x20: {  	[spmem:s8], [sflag:s9] =	dma.local @!p0 [hbm:s10], $0x1F40  }
0x21: {  	s8 =	sshrl.u32 @!p0 s3, $0x3;
	s10 =	rddreg [dreg:$0x9]  }
0x22: {  	[spmem:s8], [sflag:s9] =	dma.local @!p0 [hbm:s10], $0x1F40  }
0x23: {  	s8 =	sshrl.u32 @!p0 s4, $0x3;
	s9 =	simm.s32 @!p0 $0x1C02;
	s10 =	rddreg [dreg:$0xa]  }
0x24: {  	[spmem:s8], [sflag:s9] =	dma.local @!p0 [hbm:s10], $0x1F40  }
0x25: {  	s8 =	sshrl.u32 @!p0 s6, $0x3;
	s10 =	rddreg [dreg:$0xb]  }
0x26: {  	[spmem:s8], [sflag:s9] =	dma.local @!p0 [hbm:s10], $0x1F40  }
0x27: {  	s8 =	simm.s32 @!p0 $0x1  }
0x28: {  	_ =	swait.ge @!p0 [sflag:s8], $0x1F40  }
0x29: {  	[sflag:s8] =	ssyncset.done @!p0 $0x0  }
0x2a: {  	[sflag:s8] =	ssyncadd.s32 @!p0 $0xFFFFE0C0  }
0x2b: {  	_ =	swait.ge @!p0 [sflag:s8], $0x1F40  }
0x2c: {  	[sflag:s8] =	ssyncset.done @!p0 $0x0  }
0x2d: {  	[sflag:s8] =	ssyncadd.s32 @!p0 $0xFFFFE0C0  }
0x2e: {  	s10 =	simm.s32 $0x0;
	[bflag:$0x0] =	sbarrier.arrive $0xFFFF  }
0x2f: {  	[tilespmem:s10], [sflag:$0x3] =	stream.strided.gather [spmem:s12], $0x1F40, s21, s20, $0x38;
	[tilespmem:$0x1F400] =	vst v63  }
0x30: {  	_ = 	snop  }
0x31: {  	[tilespmem:s22], [sflag:$0x3] =	stream.strided.gather [spmem:s13], $0x1F40, s21, s20, $0x38;
	[tilespmem:$0x1F400] =	vst v63  }
.LBB2_4:
0x32: {  	_ =	swait.ge [sflag:s23], $0x1F40;
	p2 =	sne.s32 s10, $0x9F  }
0x33: {  	[sflag:s23] =	ssyncset.done $0x0;
	p2 =	por !p1, !p2  }
0x34: {  	[sflag:s23] =	ssyncadd.s32 $0xFFFFE0C0;
	p2 =	por !p2, !p2  }
.Ltmp1:
0x35: {  	_ =	swait.ge [sflag:s23], $0x1F40;
	(pc) =	sbr.rel @!p2 .LBB2_6-.Ltmp1, $4  }
0x36: {  	[sflag:s23] =	ssyncset.done $0x0  }
0x37: {  	[sflag:s23] =	ssyncadd.s32 $0xFFFFE0C0  }
0x38: {  	[bflag:$0x0] =	sbarrier.arrive $0xFFFF  }
0x39: {  	s11 =	smul.u32 $0x3E8, s10  }
0x3a: {  	_ = 	snop  }
.Ltmp2:
0x3b: {  	s8 =	sadd.s32 s11, s14;
	(pc) =	sbr.rel .LBB2_7-.Ltmp2, $4  }
0x3c: {  	s18 =	sshrl.u32 s2, $0x3;
	s8 =	sshll.u32 s8, $0x4  }
0x3d: {  	s19 =	sshrl.u32 s3, $0x3;
	s9 =	sadd.s32 s0, s8;
	s8 =	sadd.s32 s1, s8  }
0x3e: {  	[spmem:s18], [sflag:s24] =	dma.local [hbm:s9], $0x1F40  }
0x3f: {  	[spmem:s19], [sflag:s24] =	dma.local [hbm:s8], $0x1F40  }
.LBB2_6:
.Ltmp3:
0x40: {  	(pc) =	sbr.rel @p0 .LBB2_8-.Ltmp3, $1  }
0x41: {  	_ =	sdelay $0x3  }
.LBB2_7:
0x42: {  	_ =	swait.ge [sflag:s25], $0x1F40  }
0x43: {  	[sflag:s25] =	ssyncset.done $0x0  }
0x44: {  	[sflag:s25] =	ssyncadd.s32 $0xFFFFE0C0  }
0x45: {  	_ =	swait.ge [sflag:s25], $0x1F40  }
0x46: {  	[sflag:s25] =	ssyncset.done $0x0  }
0x47: {  	[sflag:s25] =	ssyncadd.s32 $0xFFFFE0C0  }
.LBB2_8:
0x48: {  	[bflag:$0x0] =	sbarrier.arrive $0xFFFF  }
0x49: {  	[tilespmem:s26], [sflag:$0x4] =	stream.strided.gather [spmem:s15], $0x1F40, s21, s20, $0x38;
	[tilespmem:$0x1F400] =	vst v63  }
0x4a: {  	s8 =	simm.s32 $0x40  }
0x4b: {  	[tilespmem:s28], [sflag:$0x4] =	stream.strided.gather [spmem:s16], $0x1F40, s21, s20, $0x38;
	[tilespmem:$0x1F400] =	vst v63  }
0x4c: {  	v2 =	vld [tilespmem:s8+$0x30]  }
0x4d: {  	v3 =	vld [tilespmem:s8+$0xFFFFFFD0]  }
0x4e: {  	v4 =	vld [tilespmem:s8+$0xFFFFFFE0]  }
0x4f: {  	v5 =	vld [tilespmem:s8+$0xFFFFFFF0]  }
0x50: {  	v7 =	vld [tilespmem:s8+$0xFFFFFFC0]  }
0x51: {  	v6 =	vld [tilespmem:s8+$0x0]  }
0x52: {  	v8 =	vld [tilespmem:s8+$0x10]  }
0x53: {  	s18 =	simm.s32 $0x3EC0;
	v9 =	vld [tilespmem:s8+$0x20];
	v2 =	vshll.u32 v2, $0x4  }
0x54: {  	v10 =	vld [tilespmem:s18+$0x30];
	v3 =	vshll.u32 v3, $0x4;
	v4 =	vshll.u32 v4, $0x4;
	v2 =	vadd.s32 v0, v2  }
0x55: {  	v11 =	vld [tilespmem:s18+$0xFFFFFFC0];
	v7 =	vshll.u32 v7, $0x4;
	v3 =	vadd.s32 v0, v3;
	vm0 =	vlt.u32 v2, $0x13880  }
0x56: {  	v12 =	vld [tilespmem:s18+$0xFFFFFFD0];
	v5 =	vshll.u32 v5, $0x4;
	vm1 =	vlt.u32 v3, $0x13880;
	v2 =	vnsel vm0, $0x0, v2  }
0x57: {  	v13 =	vld [tilespmem:s18+$0xFFFFFFE0];
	v7 =	vadd.s32 v0, v7;
	v15 =	vnsel vm1, $0x0, v3;
	v3 =	vshll.u32 v6, $0x4  }
0x58: {  	v14 =	vld [tilespmem:s18+$0xFFFFFFF0];
	v4 =	vadd.s32 v0, v4;
	vm2 =	vlt.u32 v7, $0x13880;
	v3 =	vadd.s32 v0, v3  }
0x59: {  	vm3 =	vlt.u32 v4, $0x13880;
	v6 =	vnsel vm2, $0x0, v7;
	v7 =	vld [tilespmem:s18+$0x0];
	vm4 =	vlt.u32 v3, $0x13880  }
0x5a: {  	v5 =	vadd.s32 v0, v5;
	v4 =	vnsel vm3, $0x0, v4;
	v63 =	vnsel vm4, $0x0, v3;
	v3 =	vld [tilespmem:s18+$0x20]  }
0x5b: {  	[tilespmem:v2+s29+$0x0] =	vst.idx.add.f32.msk vm0, v10;
	vm0 =	vlt.u32 v5, $0x13880  }
0x5c: {  	v2 =	vld [tilespmem:s18+$0x10];
	v5 =	vnsel vm0, $0x0, v5  }
0x5d: {  	v8 =	vshll.u32 v8, $0x4;
	[tilespmem:v15+s29+$0x0] =	vst.idx.add.f32.msk vm1, v12  }
0x5e: {  	v9 =	vshll.u32 v9, $0x4;
	v8 =	vadd.s32 v0, v8;
	[tilespmem:v6+s29+$0x0] =	vst.idx.add.f32.msk vm2, v11  }
0x5f: {  	v6 =	vadd.s32 v0, v9;
	vm1 =	vlt.u32 v8, $0x13880;
	[tilespmem:v4+s29+$0x0] =	vst.idx.add.f32.msk vm3, v13  }
0x60: {  	vm2 =	vlt.u32 v6, $0x13880;
	v4 =	vnsel vm1, $0x0, v8;
	[tilespmem:v63+s29+$0x0] =	vst.idx.add.f32.msk vm4, v7  }
0x61: {  	s19 =	simm.s32 $0x0;
	s8 =	simm.s32 $0xC0;
	[tilespmem:v5+s29+$0x0] =	vst.idx.add.f32.msk vm0, v14;
	v5 =	vnsel vm2, $0x0, v6;
	vm0 =	vmmov vm1;
	vm1 =	vmmov vm2  }
.LBB2_9:
0x62: {  	v6 =	vld [tilespmem:s8+$0x30];
	s19 =	sadd.s32 $0x8, s19  }
0x63: {  	v7 =	vld [tilespmem:s8+$0xFFFFFFD0];
	p3 =	slt.u32 s19, $0x1E8  }
0x64: {  	v8 =	vld [tilespmem:s8+$0xFFFFFFE0]  }
0x65: {  	v9 =	vld [tilespmem:s8+$0xFFFFFFF0]  }
0x66: {  	v10 =	vld [tilespmem:s8+$0x0]  }
0x67: {  	v11 =	vld [tilespmem:s8+$0x10];
	v6 =	vshll.u32 v6, $0x4  }
0x68: {  	v7 =	vshll.u32 v7, $0x4;
	v12 =	vld [tilespmem:s8+$0x20];
	v6 =	vadd.s32 v0, v6  }
0x69: {  	s18 =	sadd.s32 $0x80, s18;
	v13 =	vld [tilespmem:s8+$0xFFFFFFC0];
	v7 =	vadd.s32 v0, v7;
	v8 =	vshll.u32 v8, $0x4;
	vm6 =	vlt.u32 v6, $0x13880  }
0x6a: {  	v8 =	vadd.s32 v0, v8;
	v9 =	vshll.u32 v9, $0x4;
	v14 =	vld [tilespmem:s18+$0x30];
	v6 =	vnsel vm6, $0x0, v6  }
0x6b: {  	vm2 =	vlt.u32 v7, $0x13880;
	v15 =	vld [tilespmem:s18+$0xFFFFFFC0];
	v9 =	vadd.s32 v0, v9;
	v10 =	vshll.u32 v10, $0x4  }
0x6c: {  	vm3 =	vlt.u32 v8, $0x13880;
	v16 =	vld [tilespmem:s18+$0xFFFFFFD0];
	v10 =	vadd.s32 v0, v10;
	v11 =	vshll.u32 v11, $0x4  }
0x6d: {  	vm4 =	vlt.u32 v9, $0x13880;
	v17 =	vld [tilespmem:s18+$0xFFFFFFE0];
	v11 =	vadd.s32 v0, v11;
	v12 =	vshll.u32 v12, $0x4  }
0x6e: {  	vm5 =	vlt.u32 v10, $0x13880;
	v13 =	vshll.u32 v13, $0x4;
	v18 =	vld [tilespmem:s18+$0xFFFFFFF0];
	v12 =	vadd.s32 v0, v12  }
0x6f: {  	s9 =	simm.s32 $0x0;
	vm7 =	vlt.u32 v11, $0x13880;
	v13 =	vadd.s32 v0, v13;
	vm8 =	vlt.u32 v12, $0x13880;
	[tilespmem:v6+s29+$0x0] =	vst.idx.add.f32.msk vm6, v14  }
0x70: {  	v6 =	vnsel vm2, $0x0, v7;
	v7 =	vnsel vm3, $0x0, v8;
	vm6 =	vlt.u32 v13, $0x13880;
	v8 =	vld [tilespmem:s18+$0x0]  }
0x71: {  	v9 =	vnsel vm4, $0x0, v9;
	v10 =	vnsel vm5, $0x0, v10;
	v13 =	vnsel vm6, $0x0, v13;
	v14 =	vld [tilespmem:s18+$0x10]  }
0x72: {  	v11 =	vnsel vm7, $0x0, v11;
	v12 =	vnsel vm8, $0x0, v12;
	v19 =	vld [tilespmem:s18+$0x20]  }
0x73: {  	[tilespmem:v4+s29+$0x0] =	vst.idx.add.f32.msk vm0, v2;
	v4 =	vmov v11;
	vm0 =	vmmov vm7  }
0x74: {  	[tilespmem:v5+s29+$0x0] =	vst.idx.add.f32.msk vm1, v3;
	v5 =	vmov v12;
	vm1 =	vmmov vm8  }
.Ltmp4:
0x75: {  	[tilespmem:v6+s29+$0x0] =	vst.idx.add.f32.msk vm2, v16;
	(pc) =	sbr.rel @p3 .LBB2_9-.Ltmp4, $4  }
0x76: {  	[tilespmem:v13+s29+$0x0] =	vst.idx.add.f32.msk vm6, v15;
	v2 =	vmov v14  }
0x77: {  	[tilespmem:v7+s29+$0x0] =	vst.idx.add.f32.msk vm3, v17;
	v3 =	vmov v19  }
0x78: {  	[tilespmem:v9+s29+$0x0] =	vst.idx.add.f32.msk vm4, v18  }
0x79: {  	s8 =	sadd.s32 $0x80, s8;
	[tilespmem:v10+s29+$0x0] =	vst.idx.add.f32.msk vm5, v8  }
0x7a: {  	_ =	sdelay $0x4  }
0x7b: {  	[tilespmem:v4+s29+$0x0] =	vst.idx.add.f32.msk vm0, v2  }
0x7c: {  	[tilespmem:v5+s29+$0x0] =	vst.idx.add.f32.msk vm1, v3  }
.LBB2_11:
0x7d: {  	s8 =	sshra.s32 s9, $0x2  }
0x7e: {  	v2 =	vld [tilespmem:s8+$0x1F00];
	_ =	sdelay $0x4  }
0x7f: {  	v2 =	vshll.u32 v2, $0x4  }
0x80: {  	v2 =	vadd.s32 v0, v2  }
0x81: {  	vm0 =	vlt.u32 v2, $0x13880  }
0x82: {  	p3 =	sne.s32 s9, $0xC0;
	v3 =	vld [tilespmem:s8+$0x5D80];
	v2 =	vnsel vm0, $0x0, v2  }
.Ltmp5:
0x83: {  	_ = 	snop;
	(pc) =	sbr.rel @p3 .LBB2_11-.Ltmp5, $2  }
0x84: {  	_ =	sdelay $0x2  }
0x85: {  	s9 =	sadd.s32 $0x40, s9;
	[tilespmem:v2+s29+$0x0] =	vst.idx.add.f32.msk vm0, v3  }
0x86: {  	_ =	swait.ge [sflag:s30], $0x1F40  }
0x87: {  	[sflag:s30] =	ssyncset.done $0x0  }
0x88: {  	[sflag:s30] =	ssyncadd.s32 $0xFFFFE0C0  }
.Ltmp6:
0x89: {  	_ =	swait.ge [sflag:s30], $0x1F40;
	(pc) =	sbr.rel @!p2 .LBB2_14-.Ltmp6, $3  }
0x8a: {  	[sflag:s30] =	ssyncset.done $0x0  }
0x8b: {  	[sflag:s30] =	ssyncadd.s32 $0xFFFFE0C0  }
0x8c: {  	[bflag:$0x0] =	sbarrier.arrive $0xFFFF;
	_ =	sdelay $0x1  }
0x8d: {  	s8 =	sadd.s32 s11, s17  }
0x8e: {  	s18 =	sshrl.u32 s4, $0x3;
	s8 =	sshll.u32 s8, $0x4  }
0x8f: {  	s19 =	sshrl.u32 s6, $0x3;
	s9 =	sadd.s32 s0, s8;
	s8 =	sadd.s32 s1, s8  }
0x90: {  	[spmem:s18], [sflag:s31] =	dma.local [hbm:s9], $0x1F40  }
0x91: {  	[spmem:s19], [sflag:s31] =	dma.local [hbm:s8], $0x1F40  }
0x92: {  	_ =	swait.ge [sflag:s5], $0x1F40  }
0x93: {  	[sflag:s5] =	ssyncset.done $0x0  }
0x94: {  	[sflag:s5] =	ssyncadd.s32 $0xFFFFE0C0  }
.Ltmp7:
0x95: {  	_ =	swait.ge [sflag:s5], $0x1F40;
	(pc) =	sbr.rel .LBB2_15-.Ltmp7, $3  }
0x96: {  	[sflag:s5] =	ssyncset.done $0x0  }
0x97: {  	[sflag:s5] =	ssyncadd.s32 $0xFFFFE0C0  }
0x98: {  	[bflag:$0x0] =	sbarrier.arrive $0xFFFF;
	_ =	sdelay $0x1  }
.LBB2_14:
0x99: {  	p2 =	seq.s32 s10, $0x9F  }
.Ltmp8:
0x9a: {  	_ = 	snop;
	(pc) =	sbr.rel @p2 .LBB2_16-.Ltmp8, $2  }
0x9b: {  	_ =	sdelay $0x1  }
0x9c: {  	[bflag:$0x0] =	sbarrier.arrive $0xFFFF;
	_ =	sdelay $0x1  }
.LBB2_15:
0x9d: {  	[tilespmem:s7], [sflag:$0x3] =	stream.strided.gather [spmem:s12], $0x1F40, s21, s20, $0x38;
	[tilespmem:$0x1F400] =	vst v63  }
0x9e: {  	_ = 	snop  }
0x9f: {  	[tilespmem:s22], [sflag:$0x3] =	stream.strided.gather [spmem:s13], $0x1F40, s21, s20, $0x38;
	[tilespmem:$0x1F400] =	vst v63  }
.LBB2_16:
0xa0: {  	s8 =	simm.s32 $0x1F80  }
0xa1: {  	v2 =	vld [tilespmem:s8+$0x30]  }
0xa2: {  	v3 =	vld [tilespmem:s8+$0xFFFFFFD0]  }
0xa3: {  	v4 =	vld [tilespmem:s8+$0xFFFFFFE0]  }
0xa4: {  	v5 =	vld [tilespmem:s8+$0xFFFFFFF0]  }
0xa5: {  	v7 =	vld [tilespmem:s8+$0xFFFFFFC0]  }
0xa6: {  	v6 =	vld [tilespmem:s8+$0x0]  }
0xa7: {  	v8 =	vld [tilespmem:s8+$0x10]  }
0xa8: {  	s11 =	simm.s32 $0x5E00;
	v9 =	vld [tilespmem:s8+$0x20];
	v2 =	vshll.u32 v2, $0x4  }
0xa9: {  	v10 =	vld [tilespmem:s11+$0x30];
	v3 =	vshll.u32 v3, $0x4;
	v4 =	vshll.u32 v4, $0x4;
	v2 =	vadd.s32 v0, v2  }
0xaa: {  	v11 =	vld [tilespmem:s11+$0xFFFFFFC0];
	v7 =	vshll.u32 v7, $0x4;
	v3 =	vadd.s32 v0, v3;
	vm0 =	vlt.u32 v2, $0x13880  }
0xab: {  	v12 =	vld [tilespmem:s11+$0xFFFFFFD0];
	v5 =	vshll.u32 v5, $0x4;
	vm1 =	vlt.u32 v3, $0x13880;
	v2 =	vnsel vm0, $0x0, v2  }
0xac: {  	v13 =	vld [tilespmem:s11+$0xFFFFFFE0];
	v7 =	vadd.s32 v0, v7;
	v15 =	vnsel vm1, $0x0, v3;
	v3 =	vshll.u32 v6, $0x4  }
0xad: {  	v14 =	vld [tilespmem:s11+$0xFFFFFFF0];
	v4 =	vadd.s32 v0, v4;
	vm2 =	vlt.u32 v7, $0x13880;
	v3 =	vadd.s32 v0, v3  }
0xae: {  	vm3 =	vlt.u32 v4, $0x13880;
	v6 =	vnsel vm2, $0x0, v7;
	v7 =	vld [tilespmem:s11+$0x0];
	vm4 =	vlt.u32 v3, $0x13880  }
0xaf: {  	v5 =	vadd.s32 v0, v5;
	v4 =	vnsel vm3, $0x0, v4;
	v63 =	vnsel vm4, $0x0, v3;
	v3 =	vld [tilespmem:s11+$0x20]  }
0xb0: {  	[tilespmem:v2+s29+$0x0] =	vst.idx.add.f32.msk vm0, v10;
	vm0 =	vlt.u32 v5, $0x13880  }
0xb1: {  	v2 =	vld [tilespmem:s11+$0x10];
	v5 =	vnsel vm0, $0x0, v5  }
0xb2: {  	v8 =	vshll.u32 v8, $0x4;
	[tilespmem:v15+s29+$0x0] =	vst.idx.add.f32.msk vm1, v12  }
0xb3: {  	v9 =	vshll.u32 v9, $0x4;
	v8 =	vadd.s32 v0, v8;
	[tilespmem:v6+s29+$0x0] =	vst.idx.add.f32.msk vm2, v11  }
0xb4: {  	v6 =	vadd.s32 v0, v9;
	vm1 =	vlt.u32 v8, $0x13880;
	[tilespmem:v4+s29+$0x0] =	vst.idx.add.f32.msk vm3, v13  }
0xb5: {  	vm2 =	vlt.u32 v6, $0x13880;
	v4 =	vnsel vm1, $0x0, v8;
	[tilespmem:v63+s29+$0x0] =	vst.idx.add.f32.msk vm4, v7  }
0xb6: {  	s18 =	simm.s32 $0x0;
	s8 =	simm.s32 $0x2000;
	[tilespmem:v5+s29+$0x0] =	vst.idx.add.f32.msk vm0, v14;
	v5 =	vnsel vm2, $0x0, v6;
	vm0 =	vmmov vm1;
	vm1 =	vmmov vm2  }
.LBB2_17:
0xb7: {  	v6 =	vld [tilespmem:s8+$0x30];
	s18 =	sadd.s32 $0x8, s18  }
0xb8: {  	v7 =	vld [tilespmem:s8+$0xFFFFFFD0];
	p2 =	slt.u32 s18, $0x1E8  }
0xb9: {  	v8 =	vld [tilespmem:s8+$0xFFFFFFE0]  }
0xba: {  	v9 =	vld [tilespmem:s8+$0xFFFFFFF0]  }
0xbb: {  	v10 =	vld [tilespmem:s8+$0x0]  }
0xbc: {  	v11 =	vld [tilespmem:s8+$0x10];
	v6 =	vshll.u32 v6, $0x4  }
0xbd: {  	v7 =	vshll.u32 v7, $0x4;
	v12 =	vld [tilespmem:s8+$0x20];
	v6 =	vadd.s32 v0, v6  }
0xbe: {  	s11 =	sadd.s32 $0x80, s11;
	v13 =	vld [tilespmem:s8+$0xFFFFFFC0];
	v7 =	vadd.s32 v0, v7;
	v8 =	vshll.u32 v8, $0x4;
	vm6 =	vlt.u32 v6, $0x13880  }
0xbf: {  	v8 =	vadd.s32 v0, v8;
	v9 =	vshll.u32 v9, $0x4;
	v14 =	vld [tilespmem:s11+$0x30];
	v6 =	vnsel vm6, $0x0, v6  }
0xc0: {  	vm2 =	vlt.u32 v7, $0x13880;
	v15 =	vld [tilespmem:s11+$0xFFFFFFC0];
	v9 =	vadd.s32 v0, v9;
	v10 =	vshll.u32 v10, $0x4  }
0xc1: {  	vm3 =	vlt.u32 v8, $0x13880;
	v16 =	vld [tilespmem:s11+$0xFFFFFFD0];
	v10 =	vadd.s32 v0, v10;
	v11 =	vshll.u32 v11, $0x4  }
0xc2: {  	vm4 =	vlt.u32 v9, $0x13880;
	v17 =	vld [tilespmem:s11+$0xFFFFFFE0];
	v11 =	vadd.s32 v0, v11;
	v12 =	vshll.u32 v12, $0x4  }
0xc3: {  	vm5 =	vlt.u32 v10, $0x13880;
	v13 =	vshll.u32 v13, $0x4;
	v18 =	vld [tilespmem:s11+$0xFFFFFFF0];
	v12 =	vadd.s32 v0, v12  }
0xc4: {  	s9 =	simm.s32 $0x0;
	vm7 =	vlt.u32 v11, $0x13880;
	v13 =	vadd.s32 v0, v13;
	vm8 =	vlt.u32 v12, $0x13880;
	[tilespmem:v6+s29+$0x0] =	vst.idx.add.f32.msk vm6, v14  }
0xc5: {  	v6 =	vnsel vm2, $0x0, v7;
	v7 =	vnsel vm3, $0x0, v8;
	vm6 =	vlt.u32 v13, $0x13880;
	v8 =	vld [tilespmem:s11+$0x0]  }
0xc6: {  	v9 =	vnsel vm4, $0x0, v9;
	v10 =	vnsel vm5, $0x0, v10;
	v13 =	vnsel vm6, $0x0, v13;
	v14 =	vld [tilespmem:s11+$0x10]  }
0xc7: {  	v11 =	vnsel vm7, $0x0, v11;
	v12 =	vnsel vm8, $0x0, v12;
	v19 =	vld [tilespmem:s11+$0x20]  }
0xc8: {  	[tilespmem:v4+s29+$0x0] =	vst.idx.add.f32.msk vm0, v2;
	v4 =	vmov v11;
	vm0 =	vmmov vm7  }
0xc9: {  	[tilespmem:v5+s29+$0x0] =	vst.idx.add.f32.msk vm1, v3;
	v5 =	vmov v12;
	vm1 =	vmmov vm8  }
.Ltmp9:
0xca: {  	[tilespmem:v6+s29+$0x0] =	vst.idx.add.f32.msk vm2, v16;
	(pc) =	sbr.rel @p2 .LBB2_17-.Ltmp9, $4  }
0xcb: {  	[tilespmem:v13+s29+$0x0] =	vst.idx.add.f32.msk vm6, v15;
	v2 =	vmov v14  }
0xcc: {  	[tilespmem:v7+s29+$0x0] =	vst.idx.add.f32.msk vm3, v17;
	v3 =	vmov v19  }
0xcd: {  	[tilespmem:v9+s29+$0x0] =	vst.idx.add.f32.msk vm4, v18  }
0xce: {  	s8 =	sadd.s32 $0x80, s8;
	[tilespmem:v10+s29+$0x0] =	vst.idx.add.f32.msk vm5, v8  }
0xcf: {  	_ =	sdelay $0x4  }
0xd0: {  	[tilespmem:v4+s29+$0x0] =	vst.idx.add.f32.msk vm0, v2  }
0xd1: {  	[tilespmem:v5+s29+$0x0] =	vst.idx.add.f32.msk vm1, v3  }
.LBB2_19:
0xd2: {  	s8 =	sshra.s32 s9, $0x2  }
0xd3: {  	v2 =	vld [tilespmem:s8+$0x3E40];
	_ =	sdelay $0x4  }
0xd4: {  	v2 =	vshll.u32 v2, $0x4  }
0xd5: {  	v2 =	vadd.s32 v0, v2  }
0xd6: {  	vm0 =	vlt.u32 v2, $0x13880  }
0xd7: {  	p2 =	sne.s32 s9, $0xC0;
	v3 =	vld [tilespmem:s8+$0x7CC0];
	v2 =	vnsel vm0, $0x0, v2  }
.Ltmp10:
0xd8: {  	_ = 	snop;
	(pc) =	sbr.rel @p2 .LBB2_19-.Ltmp10, $2  }
0xd9: {  	_ =	sdelay $0x2  }
0xda: {  	s9 =	sadd.s32 $0x40, s9;
	[tilespmem:v2+s29+$0x0] =	vst.idx.add.f32.msk vm0, v3  }
0xdb: {  	s10 =	sadd.s32 $0x1, s10  }
0xdc: {  	p2 =	sne.s32 s10, $0xA0  }
.Ltmp11:
0xdd: {  	_ = 	snop;
	(pc) =	sbr.rel @p2 .LBB2_4-.Ltmp11, $1  }
0xde: {  	_ =	sdelay $0x3  }
0xdf: {  	s8 =	rddreg [dreg:$0xc];
	s9 =	simm.s32 $0x5  }
0xe0: {  	[hbm4b:s8+s7] =	stream.linear.scatter [tilespmem:s29], [sflag:$0x5], $0x13880, $0x38;
	[tilespmem:$0x1F400] =	vst v63  }
0xe1: {  	_ =	swait.ge [sflag:s9], $0x13880  }
0xe2: {  	s10 =	rddreg [dreg:$0xe]  }
0xe3: {  	s19 =	rddreg [dreg:$0xd];
	s10 =	sadd.s32 $0x1, s10  }
0xe4: {  	p2 =	sne.s32 s10, s19  }
.Ltmp12:
0xe5: {  	_ = 	snop;
	(pc) =	sbr.rel @p2 .LBB2_1-.Ltmp12, $3  }
0xe6: {  	_ =	sdelay $0x1  }
0xe7: {  	[sflag:s9] =	ssyncset.done $0x0  }
0xe8: {  	[sflag:s9] =	ssyncadd.s32 $0xFFFEC780  }
0xe9: {  	_ =	sfence.sel $0x180000  }
0xea: {  	[bflag:$0x0] =	sbarrier.arrive $0xFFFF  }
0xeb: {  	_ =	strace $0x90000047  }
0xec: {  	[bflag:$0x2] =	sbarrier.arrive $0xFFFF  }
0xed: {  	s0 =	rddreg [dreg:$0x7]  }
0xee: {  	s0 =	sadd.s32 @!p0 $0x100000, s0  }
0xef: {  	[sflag:s0] =	ssyncadd.tile.s32 @!p0 $0x1;
	_ =	shalt  }
.Lfunc_end2:
_tile_overlayer_lowered:
.L_overlay_start_2:
0xf0: {  	(tag) =	ssettag $0x2  }
0xf1: {  	s0 =	rddreg [dreg:$0x0];
	s2 =	stileid.u32  }
0xf2: {  	s1 =	rddreg [dreg:$0x1];
	p0 =	sne.s32 s2, $0x0  }
0xf3: {  	s3 =	rddreg [dreg:$0x2];
	[bflag:$0x3] =	sbarrier.arrive $0xFFFF;
	s2 =	simm.s32 @!p0 $0x1C05  }
0xf4: {  	[timem:s3], [sflag:s2] =	dma.local @!p0 [hbm:s0], s1  }
0xf5: {  	s0 =	simm.s32 @!p0 $0x5  }
0xf6: {  	_ =	swait.ge @!p0 [sflag:s0], s1  }
0xf7: {  	s1 =	ssub.s32 @!p0 $0x0, s1;
	[sflag:s0] =	ssyncset.done @!p0 $0x0  }
0xf8: {  	[sflag:s0] =	ssyncadd.s32 @!p0 s1  }
0xf9: {  	[bflag:$0x3] =	sbarrier.arrive $0xFFFF  }
0xfa: {  	_ =	shalt  }

// kernel: _run.7.cloned.1.call-start
scs
__scs_entry_jumppad:
0x0: {  	(pc) =	sbr.rel $0x88, $3  }
0x1: {  	(tag) =	ssettag $0x0;
	lr =	simm.s32 $0x1  }
0x2: {  	[smem:$0x3F9D] =	sst lr;
	_ =	strace $0xD0000000  }
0x3: {  	_ = 	snop  }
0x4: {  	_ = 	snop  }
0x5: {  	_ = 	snop  }
0x6: {  	_ = 	snop  }
0x7: {  	_ = 	snop  }
__scs_overlays_trampoline_lowered:
0x8: {  	[smem:$0x3FAC] =	sst s0  }
0x9: {  	[smem:$0x3FAD] =	sst s1  }
0xa: {  	[smem:$0x3FAE] =	sst s2  }
0xb: {  	[smem:$0x3FAF] =	sst s3  }
0xc: {  	[smem:$0x3FB0] =	sst s4  }
0xd: {  	[smem:$0x3FB1] =	sst s5  }
0xe: {  	[smem:$0x3FB2] =	sst s6  }
0xf: {  	[smem:$0x3FB3] =	sst s7  }
0x10: {  	[smem:$0x3FB4] =	sst s8  }
0x11: {  	[smem:$0x3FB5] =	sst s9;
	s0 =	simm.s32 @!p0 $0x0  }
0x12: {  	s1 =	sld [smem:$0x3F9B];
	s0 =	simm.s32 @p0 $0x1  }
0x13: {  	[smem:$0x3FB6] =	sst s0;
	s0 =	simm.s32 @!p1 $0x0  }
0x14: {  	s2 =	sld [smem:$0x3F9A];
	s0 =	simm.s32 @p1 $0x1  }
0x15: {  	[smem:$0x3FB7] =	sst s0;
	s0 =	simm.s32 @!p2 $0x0  }
0x16: {  	s3 =	sld [smem:$0x3FDB];
	s0 =	simm.s32 @p2 $0x1  }
0x17: {  	s4 =	simm.s32 $0x1BF5;
	[smem:$0x3FB9] =	sst s0  }
0x18: {  	s0 =	sld [smem:$0x3F9C];
	_ =	swait.ge [sflag:s4], $0x0  }
0x19: {  	s7 =	sld [smem:$0x3F9D]  }
0x1a: {  	s8 =	sadd.s32 $0xFFFFE003, lr  }
0x1b: {  	s9 =	sadd.s32 $0xFFFFFEF7, lr;
	s5 =	simm.s32 $0xFFFFFFFF;
	p2 =	slt.u32 s8, $0xFFFFF086  }
0x1c: {  	p1 =	slt.u32 s9, $0xF7A;
	s5 =	simm.s32 @!p2 $0x0  }
0x1d: {  	s5 =	simm.s32 @p1 $0x1;
	p0 =	seq.s32 s7, s2  }
0x1e: {  	s7 =	smul.u32 @!p0 $0xF7A, s2;
	p2 =	seq.s32 @!p0 s5, $0x0  }
0x1f: {  	s9 =	smul.u32 $0xF7A, s1;
	s8 =	simm.s32 @!p0 $0x1BF5;
	p2 =	por !p2, p0  }
0x20: {  	[sflag:s8] =	ssyncset.s32 @!p0 $0xFFFFF086;
	s6 =	sadd.s32 @!p0 s3, s7;
	s7 =	simm.s32 @!p0 $0x108  }
0x21: {  	s3 =	sadd.s32 s3, s9;
	s6 =	sadd.s32 @!p0 $0x88, s6;
	s7 =	simm.s32 @p2 $0x1082  }
0x22: {  	[simem:s7], [sflag:s8] =	dma.local @!p0 [hbm:s6], $0xF7A  }
0x23: {  	s9 =	sor.u32 $0xD0000000, s2;
	s6 =	simm.s32 $0x108;
	_ =	swait.ge @!p0 [sflag:s8], $0x0  }
0x24: {  	s3 =	sadd.s32 $0x88, s3;
	s6 =	simm.s32 @!p1 $0x1082;
	[sflag:s4] =	ssyncset.s32 $0xFFFFF086  }
0x25: {  	[simem:s6], [sflag:s4] =	dma.local [hbm:s3], $0xF7A  }
0x26: {  	[smem:$0x3F9D] =	sst s1;
	(tag) =	ssettag s2;
	_ =	strace s9  }
0x27: {  	s1 =	sld [smem:$0x3FAD]  }
0x28: {  	s2 =	sld [smem:$0x3FAE]  }
0x29: {  	s4 =	sld [smem:$0x3FB0]  }
0x2a: {  	p0 =	seq.s32 s5, $0x0;
	s5 =	sld [smem:$0x3FB1]  }
0x2b: {  	s6 =	sld [smem:$0x3FB2]  }
0x2c: {  	s7 =	sld [smem:$0x3FB3]  }
0x2d: {  	s3 =	simm.s32 $0x108;
	s8 =	sld [smem:$0x3FB4]  }
0x2e: {  	s3 =	simm.s32 @!p0 $0x1082;
	s9 =	sld [smem:$0x3FB5]  }
0x2f: {  	lr =	sadd.s32 s0, s3;
	s0 =	sld [smem:$0x3FAC]  }
0x30: {  	s3 =	sld [smem:$0x3FAF]  }
0x31: {  	[smem:$0x3FB8] =	sst s10  }
0x32: {  	s10 =	sld [smem:$0x3FB6];
	_ =	sdelay $0x3  }
0x33: {  	p0 =	seq.s32 s10, $0x1;
	s10 =	sld [smem:$0x3FB8];
	_ =	sdelay $0x3  }
0x34: {  	[smem:$0x3FB8] =	sst s10  }
0x35: {  	s10 =	sld [smem:$0x3FB7];
	_ =	sdelay $0x3  }
0x36: {  	p1 =	seq.s32 s10, $0x1;
	s10 =	sld [smem:$0x3FB8];
	_ =	sdelay $0x3  }
0x37: {  	[smem:$0x3FB8] =	sst s10  }
0x38: {  	s10 =	sld [smem:$0x3FB9]  }
0x39: {  	_ = 	snop;
	(pc) =	sbr.ind lr, $3  }
0x3a: {  	_ = 	snop  }
0x3b: {  	_ = 	snop  }
0x3c: {  	p2 =	seq.s32 s10, $0x1;
	s10 =	sld [smem:$0x3FB8]  }
0x3d: {  	_ =	shalt  }
0x3e: {  	_ =	shalt  }
0x3f: {  	_ =	shalt  }
0x40: {  	_ =	shalt  }
0x41: {  	_ =	shalt  }
0x42: {  	_ =	shalt  }
0x43: {  	_ =	shalt  }
0x44: {  	_ =	shalt  }
0x45: {  	_ =	shalt  }
0x46: {  	_ =	shalt  }
0x47: {  	_ =	shalt  }
0x48: {  	_ =	shalt  }
0x49: {  	_ =	shalt  }
0x4a: {  	_ =	shalt  }
0x4b: {  	_ =	shalt  }
0x4c: {  	_ =	shalt  }
0x4d: {  	_ =	shalt  }
0x4e: {  	_ =	shalt  }
0x4f: {  	_ =	shalt  }
0x50: {  	_ =	shalt  }
0x51: {  	_ =	shalt  }
0x52: {  	_ =	shalt  }
0x53: {  	_ =	shalt  }
0x54: {  	_ =	shalt  }
0x55: {  	_ =	shalt  }
0x56: {  	_ =	shalt  }
0x57: {  	_ =	shalt  }
0x58: {  	_ =	shalt  }
0x59: {  	_ =	shalt  }
0x5a: {  	_ =	shalt  }
0x5b: {  	_ =	shalt  }
0x5c: {  	_ =	shalt  }
0x5d: {  	_ =	shalt  }
0x5e: {  	_ =	shalt  }
0x5f: {  	_ =	shalt  }
0x60: {  	_ =	shalt  }
0x61: {  	_ =	shalt  }
0x62: {  	_ =	shalt  }
0x63: {  	_ =	shalt  }
0x64: {  	_ =	shalt  }
0x65: {  	_ =	shalt  }
0x66: {  	_ =	shalt  }
0x67: {  	_ =	shalt  }
0x68: {  	_ =	shalt  }
0x69: {  	_ =	shalt  }
0x6a: {  	_ =	shalt  }
0x6b: {  	_ =	shalt  }
0x6c: {  	_ =	shalt  }
0x6d: {  	_ =	shalt  }
0x6e: {  	_ =	shalt  }
0x6f: {  	_ =	shalt  }
0x70: {  	_ =	shalt  }
0x71: {  	_ =	shalt  }
0x72: {  	_ =	shalt  }
0x73: {  	_ =	shalt  }
0x74: {  	_ =	shalt  }
0x75: {  	_ =	shalt  }
0x76: {  	_ =	shalt  }
0x77: {  	_ =	shalt  }
0x78: {  	_ =	shalt  }
0x79: {  	_ =	shalt  }
0x7a: {  	_ =	shalt  }
0x7b: {  	_ =	shalt  }
0x7c: {  	_ =	shalt  }
0x7d: {  	_ =	shalt  }
0x7e: {  	_ =	shalt  }
0x7f: {  	_ =	shalt  }
0x80: {  	_ =	shalt  }
0x81: {  	_ =	shalt  }
0x82: {  	_ =	shalt  }
0x83: {  	_ =	shalt  }
0x84: {  	_ =	shalt  }
0x85: {  	_ =	shalt  }
0x86: {  	_ =	shalt  }
0x87: {  	_ =	shalt  }
.Lfunc_end0:
.L_simem_size_0:
called_computation.1_lowered:
.L_overlay_start_0:
0x88: {  	s2 =	sld [smem:$0x3FD9]  }
0x89: {  	s3 =	sld [smem:$0x3FFE];
	_ =	sdelay $0x1  }
0x8a: {  	s1 =	srdreg.scid  }
0x8b: {  	s0 =	sand.u32 $0x1, s1  }
0x8c: {  	s17 =	sshll.u32 s0, $0xA;
	s2 =	sadd.s32 s3, s2  }
0x8d: {  	s2 =	sadd.s32 s2, s17  }
0x8e: {  	[smem:$0x3FC4] =	sst s2  }
0x8f: {  	_ = 	snop  }
0x90: {  	s2 =	sld [smem:$0x3FC8]  }
0x91: {  	s18 =	sld [smem:$0x3FC7]  }
0x92: {  	s4 =	sld [smem:$0x3FD0];
	(tm) =	ssettm $0x1  }
0x93: {  	s5 =	sld [smem:$0x3FFB];
	_ =	sdelay $0x3  }
0x94: {  	_ =	strace s5  }
0x95: {  	s5 =	sld [smem:$0x3FFC];
	_ =	sdelay $0x3  }
0x96: {  	_ =	strace s5  }
0x97: {  	s5 =	sld [smem:$0x3FFD];
	_ =	sdelay $0x3  }
0x98: {  	_ =	strace s5  }
0x99: {  	_ =	strace $0x8FFFFFFF  }
0x9a: {  	s19 =	sld [smem:$0x3FDB];
	_ =	sdelay $0x1  }
0x9b: {  	s6 =	simm.s32 $_scs_section_size  }
0x9c: {  	s7 =	simm.s32 $_size__tile_overlayer_lowered;
	s8 =	simm.s32 $_tile_overlayer_lowered  }
0x9d: {  	s22 =	simm.s32 $0x1BFF;
	s21 =	sshll.u32 s8, $0x1;
	s5 =	sadd.s32 s6, s19  }
0x9e: {  	s9 =	simm.s32 $0x0;
	s20 =	sshll.u32 s7, $0x1;
	s7 =	sadd.s32 s21, s5  }
0x9f: {  	[timem:s9], [sflag:s22] =	dma.local [hbm:s7], s20  }
0xa0: {  	_ =	swait.ge [sflag:s22], s20  }
0xa1: {  	s6 =	ssub.s32 $0x0, s20;
	[sflag:s22] =	ssyncset.done $0x0  }
0xa2: {  	[sflag:s22] =	ssyncadd.s32 s6;
	_ =	sdelay $0x1  }
0xa3: {  	s23 =	simm.s32 $0x1B8B  }
0xa4: {  	_ =	swait.ge [sflag:s23], $0x1  }
0xa5: {  	[sflag:s23] =	ssyncset.done $0x0  }
0xa6: {  	s25 =	simm.s32 $0x1B8E;
	s24 =	sld [smem:$0x3FFE];
	[sflag:s23] =	ssyncadd.s32 $0xFFFFFFFF  }
0xa7: {  	s26 =	simm.s32 $execute0_lowered;
	[smem:$0x3FD2] =	sst s25  }
0xa8: {  	s7 =	sshll.u32 s26, $0x1;
	_ =	strace $0x80000049;
	[dreg:$0x1] =	wrdreg $0xFFFFFFFF  }
0xa9: {  	s28 =	simm.s32 $_size_execute0_lowered;
	s5 =	sadd.s32 s5, s7;
	[dreg:$0x0] =	wrdreg $0x0  }
0xaa: {  	s7 =	sshll.u32 s28, $0x1;
	[dreg:$0x2] =	wrdreg s5  }
0xab: {  	[dreg:$0x3] =	wrdreg s7  }
0xac: {  	[dreg:$0x4] =	wrdreg $0xC0  }
0xad: {  	_ =	task [dreg:s9], $0x5FFFF  }
0xae: {  	[dreg:$0x1] =	wrdreg $0xFFFFFFFF  }
0xaf: {  	[dreg:$0x0] =	wrdreg $0x60  }
0xb0: {  	[dreg:$0x2] =	wrdreg s2  }
0xb1: {  	[dreg:$0x3] =	wrdreg s18  }
0xb2: {  	[dreg:$0x4] =	wrdreg s24  }
0xb3: {  	[dreg:$0x5] =	wrdreg s4  }
0xb4: {  	[dreg:$0x6] =	wrdreg $0x9  }
0xb5: {  	_ =	task.clear_ibuf [dreg:s9], $0x7FFFF;
	_ =	strace $0x90000049  }
0xb6: {  	s29 =	simm.s32 $0x9;
	_ =	strace $0x8000004B  }
0xb7: {  	_ =	swait.ge [sflag:s29], $0x1  }
0xb8: {  	[sflag:s29] =	ssyncadd.s32 $0xFFFFFFFF  }
0xb9: {  	_ =	strace $0x9000004B  }
0xba: {  	_ =	sfence  }
0xbb: {  	s30 =	sld [smem:$0x0];
	_ =	sdelay $0x2  }
0xbc: {  	s31 =	sshll.u32 s1, $0xD;
	s1 =	sshrl.u32 s1, $0x2  }
0xbd: {  	s3 =	sand.u32 $0x4000, s31;
	s1 =	sadd.s32 s1, s30  }
0xbe: {  	s0 =	sor.u32 s3, s0;
	s1 =	sshll.u32 s1, $0x11  }
0xbf: {  	s0 =	sor.u32 s1, s0  }
0xc0: {  	s0 =	sadd.s32 $0x8F2B, s0  }
0xc1: {  	[sflag:s0] =	ssyncadd.remote.s32 $0x1  }
0xc2: {  	_ =	sfence.sel $0xFFFF  }
0xc3: {  	[dreg:$0x0] =	wrdreg $0xFFFFFFFF;
	(pc) =	sbr.abs _section_cstart, $3  }
0xc4: {  	[dreg:$0x1] =	wrdreg $0xFFFFFFFF  }
0xc5: {  	_ =	task.clear_ibuf [dreg:s9], $0x2FFFF;
	_ =	strace $0x9FFFFFFF  }
0xc6: {  	(tm) =	ssettm $0x7FFFFFFF  }
0xc7: {  	_ =	shalt  }
tec
execute0_lowered:
.L_overlay_start_1:
0x0: {  	(tag) =	ssettag $0x1  }
0x1: {  	s1 =	rddreg [dreg:$0x0]  }
0x2: {  	s2 =	rddreg [dreg:$0x1]  }
0x3: {  	s6 =	rddreg [dreg:$0x2]  }
0x4: {  	s4 =	rddreg [dreg:$0x3]  }
0x5: {  	s0 =	rddreg [dreg:$0x4]  }
0x6: {  	s5 =	simm.s32 $0x0;
	s7 =	srdreg.scid;
	s3 =	stileid.u32  }
0x7: {  	s13 =	simm.s32 $0x9C40;
	s16 =	simm.s32 $0x7530;
	s17 =	simm.s32 $0x1  }
0x8: {  	s18 =	simm.s32 $0x2;
	[smem:$0x7FF] =	sst s5;
	s8 =	sand.u32 $0x1, s7  }
0x9: {  	s29 =	sshrl.u32 s3, $0x2;
	s6 =	sadd.s32 $0x800, s6;
	s11 =	sand.u32 $0x7, s3  }
0xa: {  	s12 =	sshrl.u32 s3, $0x3;
	_ =	strace $0x8000004A;
	s9 =	ssub.s32 $0x2, s8  }
0xb: {  	s7 =	sand.u32 $0x2, s29;
	p0 =	seq.s32 s8, $0x1;
	s14 =	smul.u32 $0x13880, s11  }
0xc: {  	s30 =	smul.u32 $0x9C400, s12;
	s12 =	simm.s32 $0x10;
	s10 =	sshrl.u32 s9, $0x1  }
0xd: {  	s7 =	sor.u32 s8, s7;
	s13 =	simm.s32 @!p0 $0x0;
	s8 =	simm.s32 $0x9C40  }
0xe: {  	s7 =	smul.u32 $0x9C4, s7;
	s15 =	ssub.s32 s9, s10;
	s9 =	sshll.u32 s11, $0x1  }
0xf: {  	s31 =	sadd.s32 s13, s14;
	s13 =	simm.s32 $0x80;
	s14 =	simm.s32 $0x2710  }
0x10: {  	s10 =	sadd.s32 s30, s31;
	s11 =	smax.u32 s15, $0x1;
	s15 =	simm.s32 $0x4E20  }
.LBB2_1:
0x11: {  	s19 =	simm.s32 $0x0  }
.LBB2_2:
0x12: {  	s20 =	smul.u32 $0x271, s19;
	_ =	sdelay $0x1  }
0x13: {  	s20 =	sadd.s32 s7, s20  }
0x14: {  	s20 =	sshll.u32 s20, $0x4  }
0x15: {  	s20 =	sor.u32 s9, s20  }
0x16: {  	s22 =	simm.s32 $0x0;
	s31 =	smul.u32 $0x2710, s19;
	s21 =	sadd.s32 s1, s20  }
0x17: {  	[tilespmem:s22], [sflag:$0x1] =	stream.strided.gather [hbm4b:s21+s12], $0x2710, s13, s12, $0x38;
	[tilespmem:$0xC350] =	vst v63  }
0x18: {  	s21 =	sadd.s32 s31, s10  }
0x19: {  	s23 =	sadd.s32 s2, s20;
	s21 =	sshrl.u32 s21, $0x3  }
0x1a: {  	[tilespmem:s14], [sflag:$0x1] =	stream.strided.gather [hbm4b:s23+s12], $0x2710, s13, s12, $0x38;
	[tilespmem:$0xC350] =	vst v63  }
0x1b: {  	s21 =	sadd.s32 s6, s21  }
0x1c: {  	[tilespmem:s15], [sflag:$0x1] =	stream.linear.gather [hbm4b:s21+s22], $0x2710, $0x38;
	[tilespmem:$0xC350] =	vst v63  }
0x1d: {  	s21 =	sadd.s32 $0x27100, s21  }
0x1e: {  	[tilespmem:s16], [sflag:$0x1] =	stream.linear.gather [hbm4b:s21+s22], $0x2710, $0x38;
	[tilespmem:$0xC350] =	vst v63  }
0x1f: {  	_ =	swait.ge [sflag:s17], $0x2710  }
0x20: {  	[sflag:s17] =	ssyncset.done $0x0  }
0x21: {  	[sflag:s17] =	ssyncadd.s32 $0xFFFFD8F0  }
0x22: {  	_ =	swait.ge [sflag:s17], $0x2710  }
0x23: {  	[sflag:s17] =	ssyncset.done $0x0  }
0x24: {  	[sflag:s17] =	ssyncadd.s32 $0xFFFFD8F0  }
0x25: {  	_ =	swait.ge [sflag:s17], $0x2710  }
0x26: {  	[sflag:s17] =	ssyncset.done $0x0  }
0x27: {  	[sflag:s17] =	ssyncadd.s32 $0xFFFFD8F0  }
0x28: {  	_ =	swait.ge [sflag:s17], $0x2710  }
0x29: {  	[sflag:s17] =	ssyncset.done $0x0  }
0x2a: {  	s22 =	simm.s32 $0x0;
	[sflag:s17] =	ssyncadd.s32 $0xFFFFD8F0  }
0x2b: {  	v0 =	vld [tilespmem:s22+$0x2710]  }
0x2c: {  	s21 =	simm.s32 $0x10;
	v1 =	vld [tilespmem:s22+$0x4E20]  }
0x2d: {  	v2 =	vld [tilespmem:s21+$0x2710]  }
0x2e: {  	v3 =	vld [tilespmem:s21+$0x4E20]  }
0x2f: {  	v4 =	vld [tilespmem:s22+$0x7530];
	_ =	sdelay $0x2  }
0x30: {  	v5 =	vld [tilespmem:s21+$0x7530];
	v0 =	vadd.f32 v1, v0;
	_ =	sdelay $0x1  }
0x31: {  	v1 =	vadd.f32 v3, v2;
	v3 =	vadd.f32 v4, v0;
	_ =	sdelay $0x1  }
0x32: {  	(erf) = vrcp.f32 v3  }
0x33: {  	s23 =	simm.s32 $0x20;
	v4 =	vadd.f32 v5, v1  }
0x34: {  	v2 =	vld [tilespmem:s23+$0x4E20]  }
0x35: {  	v0 =	vld [tilespmem:s23+$0x2710];
	(erf) = vrcp.f32 v4  }
0x36: {  	v1 =	vld [tilespmem:s22+$0x0]  }
0x37: {  	v3 =	vld [tilespmem:s23+$0x7530]  }
0x38: {  	s24 =	simm.s32 $0xC0  }
.LBB2_3:
0x39: {  	s25 =	sshra.s32 s24, $0x2;
	p0 =	sne.s32 s24, $0x9C00  }
.Ltmp0:
0x3a: {  	s24 =	sadd.s32 $0x40, s24;
	v4 =	vadd.f32 v2, v0;
	v0 =	vld [tilespmem:s25+$0x2710];
	(pc) =	sbr.rel @p0 .LBB2_3-.Ltmp0, $4  }
0x3b: {  	v2 =	vld [tilespmem:s25+$0x4E20];
	v5 =	vpop (erf)  }
0x3c: {  	v4 =	vadd.f32 v3, v4;
	v5 =	vmul.f32 v5, v1;
	v1 =	vld [tilespmem:s21+$0x0]  }
0x3d: {  	v3 =	vld [tilespmem:s25+$0x7530]  }
0x3e: {  	(erf) = vrcp.f32 v4;
	[tilespmem:s22+$0x9C40] =	vst v5;
	s22 =	smov.u32 s21;
	s21 =	smov.u32 s23;
	s23 =	smov.u32 s25  }
0x3f: {  	_ = 	snop  }
0x40: {  	v0 =	vadd.f32 v2, v0;
	_ =	sdelay $0x1  }
0x41: {  	v0 =	vadd.f32 v3, v0;
	_ =	sdelay $0x1  }
0x42: {  	(erf) = vrcp.f32 v0  }
0x43: {  	v60 =	vpop (erf)  }
0x44: {  	v0 =	vmul.f32 v60, v1;
	_ =	sdelay $0x1  }
0x45: {  	v61 =	vld [tilespmem:s21+$0x0];
	[tilespmem:s22+$0x9C40] =	vst v0  }
0x46: {  	v0 =	vld [tilespmem:s23+$0x0];
	_ =	sdelay $0x2  }
0x47: {  	v62 =	vpop (erf)  }
0x48: {  	v1 =	vmul.f32 v62, v61;
	v63 =	vpop (erf)  }
0x49: {  	s19 =	sadd.s32 $0x1, s19;
	v0 =	vmul.f32 v63, v0  }
0x4a: {  	p0 =	sne.s32 s19, $0x4;
	[tilespmem:s21+$0x9C40] =	vst v1  }
.Ltmp1:
0x4b: {  	s20 =	sadd.s32 s4, s20;
	[tilespmem:s23+$0x9C40] =	vst v0;
	(pc) =	sbr.rel @p0 .LBB2_2-.Ltmp1, $4  }
0x4c: {  	[hbm4b:s20+s12] =	stream.strided.scatter [tilespmem:s8], [sflag:$0x2], $0x2710, s13, s12, $0x38;
	[tilespmem:$0xC350] =	vst v63  }
0x4d: {  	_ =	swait.ge [sflag:s18], $0x2710  }
0x4e: {  	[sflag:s18] =	ssyncset.done $0x0  }
0x4f: {  	[sflag:s18] =	ssyncadd.s32 $0xFFFFD8F0  }
0x50: {  	s5 =	sadd.s32 $0x1, s5  }
0x51: {  	p0 =	sne.s32 s5, s11  }
.Ltmp2:
0x52: {  	_ = 	snop;
	(pc) =	sbr.rel @p0 .LBB2_1-.Ltmp2, $1  }
0x53: {  	_ =	sdelay $0x3  }
0x54: {  	_ =	sfence.sel $0x180000  }
0x55: {  	[bflag:$0x0] =	sbarrier.arrive $0xFFFF  }
0x56: {  	p0 =	sne.s32 s3, $0x0;
	_ =	strace $0x9000004A  }
0x57: {  	s0 =	sadd.s32 @!p0 $0x100000, s0;
	[bflag:$0x2] =	sbarrier.arrive $0xFFFF  }
0x58: {  	[sflag:s0] =	ssyncadd.tile.s32 @!p0 $0x1;
	_ =	shalt  }
.Lfunc_end2:
_tile_overlayer_lowered:
.L_overlay_start_2:
0x59: {  	(tag) =	ssettag $0x2  }
0x5a: {  	s0 =	rddreg [dreg:$0x0];
	s2 =	stileid.u32  }
0x5b: {  	s1 =	rddreg [dreg:$0x1];
	p0 =	sne.s32 s2, $0x0  }
0x5c: {  	s3 =	rddreg [dreg:$0x2];
	[bflag:$0x3] =	sbarrier.arrive $0xFFFF;
	s2 =	simm.s32 @!p0 $0x1C02  }
0x5d: {  	[timem:s3], [sflag:s2] =	dma.local @!p0 [hbm:s0], s1  }
0x5e: {  	s0 =	simm.s32 @!p0 $0x2  }
0x5f: {  	_ =	swait.ge @!p0 [sflag:s0], s1  }
0x60: {  	s1 =	ssub.s32 @!p0 $0x0, s1;
	[sflag:s0] =	ssyncset.done @!p0 $0x0  }
0x61: {  	[sflag:s0] =	ssyncadd.s32 @!p0 s1  }
0x62: {  	[bflag:$0x3] =	sbarrier.arrive $0xFFFF  }
0x63: {  	_ =	shalt  }

</sc_bundles>
